<compile_context>
chip_gen: v7x
topology: tpu7x:2x2x1
jax: 0.10.2.dev20260603
libtpu: 0.0.44.dev20260713+nightly
codegen_flags: <defaults>
</compile_context>

<pallas_src>
import functools

import jax
import jax.numpy as jnp
from jax import lax
from jax.experimental import pallas as pl
from jax.experimental.pallas import tpu as pltpu
from jax.experimental.pallas import tpu_sc as plsc

_N = 10000
_D = 128
_NC = 2
_NS = 16
_NW = _NC * _NS
_CHUNK = 128
_NP = 10240
_RPT = _NP // _NS


def _mesh():
    return plsc.VectorSubcoreMesh(
        core_axis_name="c", subcore_axis_name="s",
        num_cores=_NC, num_subcores=_NS)


def _deg_body(nchunk, row_hbm, w_hbm, deg_out, ridx, wv, zbuf, deg_sh):
    cid = lax.axis_index("c")
    sid = lax.axis_index("s")
    wid = cid * _NS + sid
    zero = jnp.zeros((16,), jnp.float32)
    for k in range(_RPT // 16):
        zbuf[pl.ds(k * 16, 16)] = zero
    pltpu.sync_copy(zbuf, deg_sh.at[pl.ds(sid * _RPT, _RPT)])

    ept = nchunk * _CHUNK
    plsc.subcore_barrier()

    def body(j, carry):
        base = pl.multiple_of(wid * ept + j * _CHUNK, _CHUNK)
        pltpu.sync_copy(row_hbm.at[pl.ds(base, _CHUNK)], ridx)
        pltpu.sync_copy(w_hbm.at[pl.ds(base, _CHUNK)], wv)
        pltpu.sync_copy(wv, deg_sh.at[ridx], add=True)
        return carry

    lax.fori_loop(0, nchunk, body, 0)
    plsc.subcore_barrier()
    pltpu.sync_copy(deg_sh.at[pl.ds(sid * _RPT, _RPT)],
                    deg_out.at[cid, pl.ds(sid * _RPT, _RPT)])


def _make_deg(nchunk):
    return pl.kernel(
        functools.partial(_deg_body, nchunk),
        out_type=jax.ShapeDtypeStruct((_NC, _NP), jnp.float32),
        mesh=_mesh(),
        scratch_types=[
            pltpu.VMEM((_CHUNK,), jnp.int32),
            pltpu.VMEM((_CHUNK,), jnp.float32),
            pltpu.VMEM((_RPT,), jnp.float32),
            pltpu.VMEM_SHARED((_NP,), jnp.float32),
        ],
        compiler_params=pltpu.CompilerParams(needs_layout_passes=False),
    )


def _spmm_body(nchunk, row_hbm, col_hbm, w_hbm, hp_hbm, u_out,
               ridx, cidx, wv, rows, u_sh, gsem):
    cid = lax.axis_index("c")
    sid = lax.axis_index("s")
    wid = cid * _NS + sid

    zero = jnp.zeros((16,), jnp.float32)

    def zbody(r, carry):
        for q in range(_D // 16):
            rows[r, pl.ds(q * 16, 16)] = zero
        return carry

    lax.fori_loop(0, _CHUNK, zbody, 0)
    for k in range(_RPT // _CHUNK):
        pltpu.sync_copy(rows, u_sh.at[pl.ds(sid * _RPT + k * _CHUNK,
                                            _CHUNK)])

    ept = nchunk * _CHUNK
    plsc.subcore_barrier()

    def body(k, carry):
        base = pl.multiple_of(wid * ept + k * _CHUNK, _CHUNK)
        pltpu.sync_copy(row_hbm.at[pl.ds(base, _CHUNK)], ridx)
        pltpu.sync_copy(col_hbm.at[pl.ds(base, _CHUNK)], cidx)
        pltpu.sync_copy(w_hbm.at[pl.ds(base, _CHUNK)], wv)
        pltpu.async_copy(hp_hbm.at[ridx], rows, gsem).wait()

        def scale(i, carry2):
            for u in range(4):
                i4 = i * 4 + u
                wb = plsc.load_gather(
                    wv, [jnp.zeros((16,), jnp.int32) + i4])
                for q in range(_D // 16):
                    rows[i4, pl.ds(q * 16, 16)] = (
                        rows[i4, pl.ds(q * 16, 16)] * wb)
            return carry2

        lax.fori_loop(0, _CHUNK // 4, scale, 0)
        pltpu.sync_copy(rows, u_sh.at[cidx], add=True)
        return carry

    lax.fori_loop(0, nchunk, body, 0)
    plsc.subcore_barrier()
    pltpu.sync_copy(u_sh.at[pl.ds(sid * _RPT, _RPT)],
                    u_out.at[cid, pl.ds(sid * _RPT, _RPT)])


def _make_spmm(nchunk):
    return pl.kernel(
        functools.partial(_spmm_body, nchunk),
        out_type=jax.ShapeDtypeStruct((_NC, _NP, _D), jnp.float32),
        mesh=_mesh(),
        scratch_types=[
            pltpu.VMEM((_CHUNK,), jnp.int32),
            pltpu.VMEM((_CHUNK,), jnp.int32),
            pltpu.VMEM((_CHUNK,), jnp.float32),
            pltpu.VMEM((_CHUNK, _D), jnp.float32),
            pltpu.VMEM_SHARED((_NP, _D), jnp.float32),
            pltpu.SemaphoreType.DMA,
        ],
        compiler_params=pltpu.CompilerParams(needs_layout_passes=False),
    )


def _disc_body(d0_ref, d1_ref, h_ref, hp_ref, dis_ref):
    deg = d0_ref[...] + d1_ref[...]
    pos = deg > 0
    dis = jnp.where(pos, lax.rsqrt(jnp.where(pos, deg, 1.0)), 0.0)
    dis_ref[...] = dis
    hp_ref[...] = dis * h_ref[...]


def _disc(d0, d1, h, blk, grid):
    return pl.pallas_call(
        _disc_body,
        grid=(grid,),
        in_specs=[
            pl.BlockSpec((blk, 1), lambda i: (i, 0)),
            pl.BlockSpec((blk, 1), lambda i: (i, 0)),
            pl.BlockSpec((blk, _D), lambda i: (i, 0)),
        ],
        out_specs=[
            pl.BlockSpec((blk, _D), lambda i: (i, 0)),
            pl.BlockSpec((blk, 1), lambda i: (i, 0)),
        ],
        out_shape=[
            jax.ShapeDtypeStruct(h.shape, jnp.float32),
            jax.ShapeDtypeStruct((h.shape[0], 1), jnp.float32),
        ],
    )(d0, d1, h)


def _dense_body(x_ref, h_ref, u0_ref, u1_ref, c_ref, dis_ref,
                wx_ref, w0_ref, w1_ref, bsum_ref,
                wci_ref, wcf_ref, wco_ref, wlin_ref, blin_ref,
                hout_ref, h0_ref, cn_ref):
    f32 = jnp.float32
    z = -dis_ref[...] * (u0_ref[...] + u1_ref[...])
    g = (jnp.dot(x_ref[...], wx_ref[...], preferred_element_type=f32)
         + jnp.dot(h_ref[...], w0_ref[...], preferred_element_type=f32)
         + jnp.dot(z, w1_ref[...], preferred_element_type=f32)
         + bsum_ref[0:1, :] + bsum_ref[1:2, :])
    cb = c_ref[...]
    gate_i = jax.nn.sigmoid(g[:, 0 * _D:1 * _D] + wci_ref[...] * cb)
    gate_f = jax.nn.sigmoid(g[:, 1 * _D:2 * _D] + wcf_ref[...] * cb)
    gate_t = jnp.tanh(g[:, 2 * _D:3 * _D])
    cn = gate_f * cb + gate_i * gate_t
    gate_o = jax.nn.sigmoid(g[:, 3 * _D:4 * _D] + wco_ref[...] * cn)
    h0 = gate_o * jnp.tanh(cn)
    cn_ref[...] = cn
    h0_ref[...] = h0
    hout_ref[...] = lax.dot_general(
        jnp.maximum(h0, 0.0), wlin_ref[...],
        (((1,), (1,)), ((), ())), preferred_element_type=f32) + blin_ref[...]


def _dense(x, h, u0, u1, c, dis, wx, w0, w1, bsum,
           wci, wcf, wco, wlin, blin, blk, grid):
    row_spec = pl.BlockSpec((blk, _D), lambda i: (i, 0))
    one_spec = pl.BlockSpec((blk, 1), lambda i: (i, 0))
    w_spec = pl.BlockSpec((_D, 4 * _D), lambda i: (0, 0))
    v_spec = pl.BlockSpec((1, _D), lambda i: (0, 0))
    return pl.pallas_call(
        _dense_body,
        grid=(grid,),
        in_specs=[
            row_spec, row_spec, row_spec, row_spec, row_spec, one_spec,
            w_spec, w_spec, w_spec,
            pl.BlockSpec((2, 4 * _D), lambda i: (0, 0)),
            v_spec, v_spec, v_spec,
            pl.BlockSpec((_D, _D), lambda i: (0, 0)),
            v_spec,
        ],
        out_specs=[row_spec, row_spec, row_spec],
        out_shape=[
            jax.ShapeDtypeStruct(x.shape, jnp.float32),
            jax.ShapeDtypeStruct(x.shape, jnp.float32),
            jax.ShapeDtypeStruct(x.shape, jnp.float32),
        ],
    )(x, h, u0, u1, c, dis, wx, w0, w1, bsum, wci, wcf, wco, wlin, blin)


def kernel(x, edge_index, edge_weight, h, c,
           W_i, b_i, conv_i_W0, conv_i_W1, conv_i_b,
           W_f, b_f, conv_f_W0, conv_f_W1, conv_f_b,
           W_c, b_c, conv_c_W0, conv_c_W1, conv_c_b,
           W_o, b_o, conv_o_W0, conv_o_W1, conv_o_b,
           w_c_i, w_c_f, w_c_o, W_lin, b_lin):
    n = x.shape[0]
    e = edge_weight.shape[0]
    assert n <= _NP and x.shape[1] == _D

    step = _NW * _CHUNK
    ep = ((e + step - 1) // step) * step
    pad = ep - e
    row = jnp.concatenate([edge_index[0], jnp.zeros((pad,), jnp.int32)])
    col = jnp.concatenate([edge_index[1], jnp.zeros((pad,), jnp.int32)])
    w = jnp.concatenate([edge_weight, jnp.zeros((pad,), jnp.float32)])
    nchunk = ep // step

    deg_part = _make_deg(nchunk)(row, w)
    d0 = deg_part[0, :n].reshape(n, 1)
    d1 = deg_part[1, :n].reshape(n, 1)

    blk, grid = 1000, n // 1000
    hp, dis = _disc(d0, d1, h, blk, grid)

    u_part = _make_spmm(nchunk)(row, col, w, hp)
    u0 = u_part[0, :n]
    u1 = u_part[1, :n]

    wx = jnp.concatenate([W_i, W_f, W_c, W_o], axis=1)
    w0 = jnp.concatenate([conv_i_W0, conv_f_W0, conv_c_W0, conv_o_W0], axis=1)
    w1 = jnp.concatenate([conv_i_W1, conv_f_W1, conv_c_W1, conv_o_W1], axis=1)
    bsum = jnp.stack([
        jnp.concatenate([b_i[0], b_f[0], b_c[0], b_o[0]]),
        jnp.concatenate([conv_i_b, conv_f_b, conv_c_b, conv_o_b]),
    ])

    return _dense(x, h, u0, u1, c, dis, wx, w0, w1, bsum,
                  w_c_i, w_c_f, w_c_o, W_lin, b_lin.reshape(1, _D), blk, grid)

# --- scband reference (transcript-rebuilt; emitter-appended) ---
"""Pipeline reference for scband-recurrent-gcn-45758581572160 (READ-ONLY COPY).

The authoritative reference and input builder live on the scoring server;
editing this copy changes nothing except your own understanding.
"""

import jax, jax.numpy as jnp
import numpy as np

N = 10000
E = 320000
D_IN = 128
D_H = 128


def setup_inputs(seed: int = 0) -> dict:
    key = jax.random.key(seed)
    ks = jax.random.split(key, 32)
    s = 1.0 / np.sqrt(D_H)
    inp = {}
    inp["x"] = jax.random.normal(ks[0], (N, D_IN), dtype=jnp.float32)
    inp["edge_index"] = jax.random.randint(ks[1], (2, E), 0, N, dtype=jnp.int32)
    inp["edge_weight"] = jax.random.uniform(ks[2], (E,), dtype=jnp.float32)
    inp["h"] = jax.random.normal(ks[3], (N, D_H), dtype=jnp.float32)
    inp["c"] = jax.random.normal(ks[4], (N, D_H), dtype=jnp.float32)
    for t, nm in enumerate(["i", "f", "c", "o"]):
        inp["W_" + nm] = jax.random.normal(ks[5 + t], (D_IN, D_H), dtype=jnp.float32) * s
        inp["b_" + nm] = jnp.zeros((1, D_H), dtype=jnp.float32)
        inp["conv_" + nm + "_W0"] = jax.random.normal(ks[9 + t], (D_H, D_H), dtype=jnp.float32) * s
        inp["conv_" + nm + "_W1"] = jax.random.normal(ks[13 + t], (D_H, D_H), dtype=jnp.float32) * s
        inp["conv_" + nm + "_b"] = jnp.zeros((D_H,), dtype=jnp.float32)
    for t, nm in enumerate(["i", "f", "o"]):
        inp["w_c_" + nm] = jax.random.normal(ks[17 + t], (1, D_H), dtype=jnp.float32) * s
    inp["W_lin"] = jax.random.normal(ks[20], (D_H, D_H), dtype=jnp.float32) * s
    inp["b_lin"] = jnp.zeros((D_H,), dtype=jnp.float32)
    return inp


def _lap_norm(edge_index, edge_weight, n):
    # ChebConv sym normalization with default lambda_max=2.0:
    # L_hat = (2/lambda_max) * (I - D^-1/2 A D^-1/2) - I = -D^-1/2 A D^-1/2
    # (the +1 and -1 self-loop entries cancel in the scatter-add)
    row, col = edge_index[0], edge_index[1]
    deg = jax.ops.segment_sum(edge_weight, row, num_segments=n)
    deg_safe = jnp.where(deg > 0, deg, 1.0)
    dis = jnp.where(deg > 0, jax.lax.rsqrt(deg_safe), 0.0)
    return -dis[row] * edge_weight * dis[col]


def _cheb(hid, row, col, norm, W0, W1, b):
    # K=2 Chebyshev conv: out = Tx_0 @ W0 + Tx_1 @ W1 + b, Tx_0 = h, Tx_1 = L_hat h
    out = hid @ W0
    Tx1 = jnp.zeros_like(hid).at[col].add(norm[:, None] * hid[row])
    return out + Tx1 @ W1 + b


def reference(x, edge_index, edge_weight, h, c,
              W_i, b_i, conv_i_W0, conv_i_W1, conv_i_b,
              W_f, b_f, conv_f_W0, conv_f_W1, conv_f_b,
              W_c, b_c, conv_c_W0, conv_c_W1, conv_c_b,
              W_o, b_o, conv_o_W0, conv_o_W1, conv_o_b,
              w_c_i, w_c_f, w_c_o, W_lin, b_lin):
    n = x.shape[0]
    row, col = edge_index[0], edge_index[1]
    norm = _lap_norm(edge_index, edge_weight, n)
    I = jax.nn.sigmoid(x @ W_i + _cheb(h, row, col, norm, conv_i_W0, conv_i_W1, conv_i_b) + w_c_i * c + b_i)
    F = jax.nn.sigmoid(x @ W_f + _cheb(h, row, col, norm, conv_f_W0, conv_f_W1, conv_f_b) + w_c_f * c + b_f)
    T = jnp.tanh(x @ W_c + _cheb(h, row, col, norm, conv_c_W0, conv_c_W1, conv_c_b) + b_c)
    C = F * c + I * T
    O = jax.nn.sigmoid(x @ W_o + _cheb(h, row, col, norm, conv_o_W0, conv_o_W1, conv_o_b) + w_c_o * C + b_o)
    H0 = O * jnp.tanh(C)
    h_out = jax.nn.relu(H0) @ W_lin.T + b_lin
    return (h_out, H0, C)

if __name__ == "__main__":
    import jax
    _d = setup_inputs()
    print(jax.jit(kernel)(*tuple(_d.values())))

</pallas_src>

<mosaic_0001>
#map = affine_map<(d0, d1) -> (0)>
#map1 = affine_map<(d0, d1) -> (0, 0)>
module attributes {stable_mosaic.version = 14 : i64} {
  func.func @_deg_body(%arg0: i32, %arg1: i32, %arg2: memref<323584xi32, #tpu.memory_space<hbm>>, %arg3: memref<323584xf32, #tpu.memory_space<hbm>>, %arg4: memref<2x10240xf32, #tpu.memory_space<hbm>>, %arg5: memref<128xi32, #tpu.memory_space<vmem>>, %arg6: memref<128xf32, #tpu.memory_space<vmem>>, %arg7: memref<640xf32, #tpu.memory_space<vmem>>, %arg8: memref<10240xf32, #tpu.memory_space<vmem_shared>>) attributes {dimension_semantics = [#tpu.dimension_semantics<core_parallel>, #tpu.dimension_semantics<subcore_parallel>], iteration_bounds = array<i64: 2, 16>, scalar_prefetch = 0 : i64, scratch_operands = 4 : i64, tpu.core_type = #tpu.core_type<sc_vector_subcore>, window_params = [{transform_indices = #map}, {transform_indices = #map}, {transform_indices = #map1}]} {
    %mul3A = arith.constant 16 : i32
    %mul3A_0 = arith.muli %arg0, %mul3A : i32
    %add3A = arith.addi %mul3A_0, %arg1 : i32
    %broadcast_in_dim3A = arith.constant 0.000000e+00 : f32
    %broadcast_in_dim3A_1 = vector.broadcast %broadcast_in_dim3A : f32 to vector<16xf32>
    %swap3A = arith.constant 0 : index
    %swap3A_2 = tpu.vector_load %arg7[%swap3A] {strides = array<i32>} : memref<640xf32, #tpu.memory_space<vmem>>, vector<16xf32>,
    tpu.vector_store %arg7[%swap3A], %broadcast_in_dim3A_1 {strides = array<i32>} : memref<640xf32, #tpu.memory_space<vmem>>, vector<16xf32>,
    %swap3A_3 = arith.constant 16 : index
    %swap3A_4 = tpu.vector_load %arg7[%swap3A_3] {strides = array<i32>} : memref<640xf32, #tpu.memory_space<vmem>>, vector<16xf32>,
    tpu.vector_store %arg7[%swap3A_3], %broadcast_in_dim3A_1 {strides = array<i32>} : memref<640xf32, #tpu.memory_space<vmem>>, vector<16xf32>,
    %swap3A_5 = arith.constant 32 : index
    %swap3A_6 = tpu.vector_load %arg7[%swap3A_5] {strides = array<i32>} : memref<640xf32, #tpu.memory_space<vmem>>, vector<16xf32>,
    tpu.vector_store %arg7[%swap3A_5], %broadcast_in_dim3A_1 {strides = array<i32>} : memref<640xf32, #tpu.memory_space<vmem>>, vector<16xf32>,
    %swap3A_7 = arith.constant 48 : index
    %swap3A_8 = tpu.vector_load %arg7[%swap3A_7] {strides = array<i32>} : memref<640xf32, #tpu.memory_space<vmem>>, vector<16xf32>,
    tpu.vector_store %arg7[%swap3A_7], %broadcast_in_dim3A_1 {strides = array<i32>} : memref<640xf32, #tpu.memory_space<vmem>>, vector<16xf32>,
    %swap3A_9 = arith.constant 64 : index
    %swap3A_10 = tpu.vector_load %arg7[%swap3A_9] {strides = array<i32>} : memref<640xf32, #tpu.memory_space<vmem>>, vector<16xf32>,
    tpu.vector_store %arg7[%swap3A_9], %broadcast_in_dim3A_1 {strides = array<i32>} : memref<640xf32, #tpu.memory_space<vmem>>, vector<16xf32>,
    %swap3A_11 = arith.constant 80 : index
    %swap3A_12 = tpu.vector_load %arg7[%swap3A_11] {strides = array<i32>} : memref<640xf32, #tpu.memory_space<vmem>>, vector<16xf32>,
    tpu.vector_store %arg7[%swap3A_11], %broadcast_in_dim3A_1 {strides = array<i32>} : memref<640xf32, #tpu.memory_space<vmem>>, vector<16xf32>,
    %swap3A_13 = arith.constant 96 : index
    %swap3A_14 = tpu.vector_load %arg7[%swap3A_13] {strides = array<i32>} : memref<640xf32, #tpu.memory_space<vmem>>, vector<16xf32>,
    tpu.vector_store %arg7[%swap3A_13], %broadcast_in_dim3A_1 {strides = array<i32>} : memref<640xf32, #tpu.memory_space<vmem>>, vector<16xf32>,
    %swap3A_15 = arith.constant 112 : index
    %swap3A_16 = tpu.vector_load %arg7[%swap3A_15] {strides = array<i32>} : memref<640xf32, #tpu.memory_space<vmem>>, vector<16xf32>,
    tpu.vector_store %arg7[%swap3A_15], %broadcast_in_dim3A_1 {strides = array<i32>} : memref<640xf32, #tpu.memory_space<vmem>>, vector<16xf32>,
    %swap3A_17 = arith.constant 128 : index
    %swap3A_18 = tpu.vector_load %arg7[%swap3A_17] {strides = array<i32>} : memref<640xf32, #tpu.memory_space<vmem>>, vector<16xf32>,
    tpu.vector_store %arg7[%swap3A_17], %broadcast_in_dim3A_1 {strides = array<i32>} : memref<640xf32, #tpu.memory_space<vmem>>, vector<16xf32>,
    %swap3A_19 = arith.constant 144 : index
    %swap3A_20 = tpu.vector_load %arg7[%swap3A_19] {strides = array<i32>} : memref<640xf32, #tpu.memory_space<vmem>>, vector<16xf32>,
    tpu.vector_store %arg7[%swap3A_19], %broadcast_in_dim3A_1 {strides = array<i32>} : memref<640xf32, #tpu.memory_space<vmem>>, vector<16xf32>,
    %swap3A_21 = arith.constant 160 : index
    %swap3A_22 = tpu.vector_load %arg7[%swap3A_21] {strides = array<i32>} : memref<640xf32, #tpu.memory_space<vmem>>, vector<16xf32>,
    tpu.vector_store %arg7[%swap3A_21], %broadcast_in_dim3A_1 {strides = array<i32>} : memref<640xf32, #tpu.memory_space<vmem>>, vector<16xf32>,
    %swap3A_23 = arith.constant 176 : index
    %swap3A_24 = tpu.vector_load %arg7[%swap3A_23] {strides = array<i32>} : memref<640xf32, #tpu.memory_space<vmem>>, vector<16xf32>,
    tpu.vector_store %arg7[%swap3A_23], %broadcast_in_dim3A_1 {strides = array<i32>} : memref<640xf32, #tpu.memory_space<vmem>>, vector<16xf32>,
    %swap3A_25 = arith.constant 192 : index
    %swap3A_26 = tpu.vector_load %arg7[%swap3A_25] {strides = array<i32>} : memref<640xf32, #tpu.memory_space<vmem>>, vector<16xf32>,
    tpu.vector_store %arg7[%swap3A_25], %broadcast_in_dim3A_1 {strides = array<i32>} : memref<640xf32, #tpu.memory_space<vmem>>, vector<16xf32>,
    %swap3A_27 = arith.constant 208 : index
    %swap3A_28 = tpu.vector_load %arg7[%swap3A_27] {strides = array<i32>} : memref<640xf32, #tpu.memory_space<vmem>>, vector<16xf32>,
    tpu.vector_store %arg7[%swap3A_27], %broadcast_in_dim3A_1 {strides = array<i32>} : memref<640xf32, #tpu.memory_space<vmem>>, vector<16xf32>,
    %swap3A_29 = arith.constant 224 : index
    %swap3A_30 = tpu.vector_load %arg7[%swap3A_29] {strides = array<i32>} : memref<640xf32, #tpu.memory_space<vmem>>, vector<16xf32>,
    tpu.vector_store %arg7[%swap3A_29], %broadcast_in_dim3A_1 {strides = array<i32>} : memref<640xf32, #tpu.memory_space<vmem>>, vector<16xf32>,
    %swap3A_31 = arith.constant 240 : index
    %swap3A_32 = tpu.vector_load %arg7[%swap3A_31] {strides = array<i32>} : memref<640xf32, #tpu.memory_space<vmem>>, vector<16xf32>,
    tpu.vector_store %arg7[%swap3A_31], %broadcast_in_dim3A_1 {strides = array<i32>} : memref<640xf32, #tpu.memory_space<vmem>>, vector<16xf32>,
    %swap3A_33 = arith.constant 256 : index
    %swap3A_34 = tpu.vector_load %arg7[%swap3A_33] {strides = array<i32>} : memref<640xf32, #tpu.memory_space<vmem>>, vector<16xf32>,
    tpu.vector_store %arg7[%swap3A_33], %broadcast_in_dim3A_1 {strides = array<i32>} : memref<640xf32, #tpu.memory_space<vmem>>, vector<16xf32>,
    %swap3A_35 = arith.constant 272 : index
    %swap3A_36 = tpu.vector_load %arg7[%swap3A_35] {strides = array<i32>} : memref<640xf32, #tpu.memory_space<vmem>>, vector<16xf32>,
    tpu.vector_store %arg7[%swap3A_35], %broadcast_in_dim3A_1 {strides = array<i32>} : memref<640xf32, #tpu.memory_space<vmem>>, vector<16xf32>,
    %swap3A_37 = arith.constant 288 : index
    %swap3A_38 = tpu.vector_load %arg7[%swap3A_37] {strides = array<i32>} : memref<640xf32, #tpu.memory_space<vmem>>, vector<16xf32>,
    tpu.vector_store %arg7[%swap3A_37], %broadcast_in_dim3A_1 {strides = array<i32>} : memref<640xf32, #tpu.memory_space<vmem>>, vector<16xf32>,
    %swap3A_39 = arith.constant 304 : index
    %swap3A_40 = tpu.vector_load %arg7[%swap3A_39] {strides = array<i32>} : memref<640xf32, #tpu.memory_space<vmem>>, vector<16xf32>,
    tpu.vector_store %arg7[%swap3A_39], %broadcast_in_dim3A_1 {strides = array<i32>} : memref<640xf32, #tpu.memory_space<vmem>>, vector<16xf32>,
    %swap3A_41 = arith.constant 320 : index
    %swap3A_42 = tpu.vector_load %arg7[%swap3A_41] {strides = array<i32>} : memref<640xf32, #tpu.memory_space<vmem>>, vector<16xf32>,
    tpu.vector_store %arg7[%swap3A_41], %broadcast_in_dim3A_1 {strides = array<i32>} : memref<640xf32, #tpu.memory_space<vmem>>, vector<16xf32>,
    %swap3A_43 = arith.constant 336 : index
    %swap3A_44 = tpu.vector_load %arg7[%swap3A_43] {strides = array<i32>} : memref<640xf32, #tpu.memory_space<vmem>>, vector<16xf32>,
    tpu.vector_store %arg7[%swap3A_43], %broadcast_in_dim3A_1 {strides = array<i32>} : memref<640xf32, #tpu.memory_space<vmem>>, vector<16xf32>,
    %swap3A_45 = arith.constant 352 : index
    %swap3A_46 = tpu.vector_load %arg7[%swap3A_45] {strides = array<i32>} : memref<640xf32, #tpu.memory_space<vmem>>, vector<16xf32>,
    tpu.vector_store %arg7[%swap3A_45], %broadcast_in_dim3A_1 {strides = array<i32>} : memref<640xf32, #tpu.memory_space<vmem>>, vector<16xf32>,
    %swap3A_47 = arith.constant 368 : index
    %swap3A_48 = tpu.vector_load %arg7[%swap3A_47] {strides = array<i32>} : memref<640xf32, #tpu.memory_space<vmem>>, vector<16xf32>,
    tpu.vector_store %arg7[%swap3A_47], %broadcast_in_dim3A_1 {strides = array<i32>} : memref<640xf32, #tpu.memory_space<vmem>>, vector<16xf32>,
    %swap3A_49 = arith.constant 384 : index
    %swap3A_50 = tpu.vector_load %arg7[%swap3A_49] {strides = array<i32>} : memref<640xf32, #tpu.memory_space<vmem>>, vector<16xf32>,
    tpu.vector_store %arg7[%swap3A_49], %broadcast_in_dim3A_1 {strides = array<i32>} : memref<640xf32, #tpu.memory_space<vmem>>, vector<16xf32>,
    %swap3A_51 = arith.constant 400 : index
    %swap3A_52 = tpu.vector_load %arg7[%swap3A_51] {strides = array<i32>} : memref<640xf32, #tpu.memory_space<vmem>>, vector<16xf32>,
    tpu.vector_store %arg7[%swap3A_51], %broadcast_in_dim3A_1 {strides = array<i32>} : memref<640xf32, #tpu.memory_space<vmem>>, vector<16xf32>,
    %swap3A_53 = arith.constant 416 : index
    %swap3A_54 = tpu.vector_load %arg7[%swap3A_53] {strides = array<i32>} : memref<640xf32, #tpu.memory_space<vmem>>, vector<16xf32>,
    tpu.vector_store %arg7[%swap3A_53], %broadcast_in_dim3A_1 {strides = array<i32>} : memref<640xf32, #tpu.memory_space<vmem>>, vector<16xf32>,
    %swap3A_55 = arith.constant 432 : index
    %swap3A_56 = tpu.vector_load %arg7[%swap3A_55] {strides = array<i32>} : memref<640xf32, #tpu.memory_space<vmem>>, vector<16xf32>,
    tpu.vector_store %arg7[%swap3A_55], %broadcast_in_dim3A_1 {strides = array<i32>} : memref<640xf32, #tpu.memory_space<vmem>>, vector<16xf32>,
    %swap3A_57 = arith.constant 448 : index
    %swap3A_58 = tpu.vector_load %arg7[%swap3A_57] {strides = array<i32>} : memref<640xf32, #tpu.memory_space<vmem>>, vector<16xf32>,
    tpu.vector_store %arg7[%swap3A_57], %broadcast_in_dim3A_1 {strides = array<i32>} : memref<640xf32, #tpu.memory_space<vmem>>, vector<16xf32>,
    %swap3A_59 = arith.constant 464 : index
    %swap3A_60 = tpu.vector_load %arg7[%swap3A_59] {strides = array<i32>} : memref<640xf32, #tpu.memory_space<vmem>>, vector<16xf32>,
    tpu.vector_store %arg7[%swap3A_59], %broadcast_in_dim3A_1 {strides = array<i32>} : memref<640xf32, #tpu.memory_space<vmem>>, vector<16xf32>,
    %swap3A_61 = arith.constant 480 : index
    %swap3A_62 = tpu.vector_load %arg7[%swap3A_61] {strides = array<i32>} : memref<640xf32, #tpu.memory_space<vmem>>, vector<16xf32>,
    tpu.vector_store %arg7[%swap3A_61], %broadcast_in_dim3A_1 {strides = array<i32>} : memref<640xf32, #tpu.memory_space<vmem>>, vector<16xf32>,
    %swap3A_63 = arith.constant 496 : index
    %swap3A_64 = tpu.vector_load %arg7[%swap3A_63] {strides = array<i32>} : memref<640xf32, #tpu.memory_space<vmem>>, vector<16xf32>,
    tpu.vector_store %arg7[%swap3A_63], %broadcast_in_dim3A_1 {strides = array<i32>} : memref<640xf32, #tpu.memory_space<vmem>>, vector<16xf32>,
    %swap3A_65 = arith.constant 512 : index
    %swap3A_66 = tpu.vector_load %arg7[%swap3A_65] {strides = array<i32>} : memref<640xf32, #tpu.memory_space<vmem>>, vector<16xf32>,
    tpu.vector_store %arg7[%swap3A_65], %broadcast_in_dim3A_1 {strides = array<i32>} : memref<640xf32, #tpu.memory_space<vmem>>, vector<16xf32>,
    %swap3A_67 = arith.constant 528 : index
    %swap3A_68 = tpu.vector_load %arg7[%swap3A_67] {strides = array<i32>} : memref<640xf32, #tpu.memory_space<vmem>>, vector<16xf32>,
    tpu.vector_store %arg7[%swap3A_67], %broadcast_in_dim3A_1 {strides = array<i32>} : memref<640xf32, #tpu.memory_space<vmem>>, vector<16xf32>,
    %swap3A_69 = arith.constant 544 : index
    %swap3A_70 = tpu.vector_load %arg7[%swap3A_69] {strides = array<i32>} : memref<640xf32, #tpu.memory_space<vmem>>, vector<16xf32>,
    tpu.vector_store %arg7[%swap3A_69], %broadcast_in_dim3A_1 {strides = array<i32>} : memref<640xf32, #tpu.memory_space<vmem>>, vector<16xf32>,
    %swap3A_71 = arith.constant 560 : index
    %swap3A_72 = tpu.vector_load %arg7[%swap3A_71] {strides = array<i32>} : memref<640xf32, #tpu.memory_space<vmem>>, vector<16xf32>,
    tpu.vector_store %arg7[%swap3A_71], %broadcast_in_dim3A_1 {strides = array<i32>} : memref<640xf32, #tpu.memory_space<vmem>>, vector<16xf32>,
    %swap3A_73 = arith.constant 576 : index
    %swap3A_74 = tpu.vector_load %arg7[%swap3A_73] {strides = array<i32>} : memref<640xf32, #tpu.memory_space<vmem>>, vector<16xf32>,
    tpu.vector_store %arg7[%swap3A_73], %broadcast_in_dim3A_1 {strides = array<i32>} : memref<640xf32, #tpu.memory_space<vmem>>, vector<16xf32>,
    %swap3A_75 = arith.constant 592 : index
    %swap3A_76 = tpu.vector_load %arg7[%swap3A_75] {strides = array<i32>} : memref<640xf32, #tpu.memory_space<vmem>>, vector<16xf32>,
    tpu.vector_store %arg7[%swap3A_75], %broadcast_in_dim3A_1 {strides = array<i32>} : memref<640xf32, #tpu.memory_space<vmem>>, vector<16xf32>,
    %swap3A_77 = arith.constant 608 : index
    %swap3A_78 = tpu.vector_load %arg7[%swap3A_77] {strides = array<i32>} : memref<640xf32, #tpu.memory_space<vmem>>, vector<16xf32>,
    tpu.vector_store %arg7[%swap3A_77], %broadcast_in_dim3A_1 {strides = array<i32>} : memref<640xf32, #tpu.memory_space<vmem>>, vector<16xf32>,
    %swap3A_79 = arith.constant 624 : index
    %swap3A_80 = tpu.vector_load %arg7[%swap3A_79] {strides = array<i32>} : memref<640xf32, #tpu.memory_space<vmem>>, vector<16xf32>,
    tpu.vector_store %arg7[%swap3A_79], %broadcast_in_dim3A_1 {strides = array<i32>} : memref<640xf32, #tpu.memory_space<vmem>>, vector<16xf32>,
    %mul3A_81 = arith.constant 640 : i32
    %mul3A_82 = arith.muli %arg1, %mul3A_81 : i32
    "tpu.region"() ({
      %run_scoped3A = tpu.sem_alloc : memref<!tpu.dma_semaphore, #tpu.memory_space<semaphore_mem>>
      %dma_start3A = tpu.memref_slice %arg8[%mul3A_82] : memref<10240xf32, #tpu.memory_space<vmem_shared>> -> memref<640xf32, #tpu.memory_space<vmem_shared>>
      %dma_start3A_93 = tpu.memref_slice %arg8[%mul3A_82] : memref<10240xf32, #tpu.memory_space<vmem_shared>> -> memref<640xf32, #tpu.memory_space<vmem_shared>>
      tpu.enqueue_dma source(%arg7 : memref<640xf32, #tpu.memory_space<vmem>>) target(%dma_start3A_93 : memref<640xf32, #tpu.memory_space<vmem_shared>>) target_semaphore(%run_scoped3A : memref<!tpu.dma_semaphore, #tpu.memory_space<semaphore_mem>>)
      %dma_wait3A = tpu.memref_slice %arg8[%mul3A_82] : memref<10240xf32, #tpu.memory_space<vmem_shared>> -> memref<640xf32, #tpu.memory_space<vmem_shared>>
      %dma_wait3A_94 = tpu.memref_slice %arg8[%mul3A_82] : memref<10240xf32, #tpu.memory_space<vmem_shared>> -> memref<640xf32, #tpu.memory_space<vmem_shared>>
      tpu.wait_dma2 semaphore(%run_scoped3A : memref<!tpu.dma_semaphore, #tpu.memory_space<semaphore_mem>>) src(%arg7 : memref<640xf32, #tpu.memory_space<vmem>>) dst(%dma_wait3A_94 : memref<640xf32, #tpu.memory_space<vmem_shared>>)
      tpu.yield
    }) : () -> ()
    %barrier3A = arith.constant 0 : index
    tpu.barrier barrier_id(%barrier3A)
    %scan3A = arith.constant 0 : i32
    %scan3A_83 = arith.constant 0 : i32
    %scan3A_84 = arith.constant 79 : i32
    %scan3A_85 = arith.addi %scan3A_83, %scan3A_84 : i32
    %scan3A_86 = arith.constant 1 : i32
    scf.for %scan3A_93 = %scan3A_83 to %scan3A_85 step %scan3A_86  : i32 {
      %mul3A_94 = arith.constant 10112 : i32
      %mul3A_95 = arith.muli %add3A, %mul3A_94 : i32
      %mul3A_96 = arith.constant 128 : i32
      %mul3A_97 = arith.muli %scan3A_93, %mul3A_96 : i32
      %add3A_98 = arith.addi %mul3A_95, %mul3A_97 : i32
      %multiple_of3A = tpu.assume_multiple %add3A_98, 128 : i32
      "tpu.region"() ({
        %run_scoped3A = tpu.sem_alloc : memref<!tpu.dma_semaphore, #tpu.memory_space<semaphore_mem>>
        %dma_start3A = tpu.memref_slice %arg2[%multiple_of3A] : memref<323584xi32, #tpu.memory_space<hbm>> -> memref<128xi32, #tpu.memory_space<hbm>>
        %dma_start3A_99 = tpu.memref_slice %arg2[%multiple_of3A] : memref<323584xi32, #tpu.memory_space<hbm>> -> memref<128xi32, #tpu.memory_space<hbm>>
        tpu.enqueue_dma source(%dma_start3A_99 : memref<128xi32, #tpu.memory_space<hbm>>) target(%arg5 : memref<128xi32, #tpu.memory_space<vmem>>) target_semaphore(%run_scoped3A : memref<!tpu.dma_semaphore, #tpu.memory_space<semaphore_mem>>)
        %dma_wait3A = tpu.memref_slice %arg2[%multiple_of3A] : memref<323584xi32, #tpu.memory_space<hbm>> -> memref<128xi32, #tpu.memory_space<hbm>>
        %dma_wait3A_100 = tpu.memref_slice %arg2[%multiple_of3A] : memref<323584xi32, #tpu.memory_space<hbm>> -> memref<128xi32, #tpu.memory_space<hbm>>
        tpu.wait_dma2 semaphore(%run_scoped3A : memref<!tpu.dma_semaphore, #tpu.memory_space<semaphore_mem>>) src(%dma_wait3A_100 : memref<128xi32, #tpu.memory_space<hbm>>) dst(%arg5 : memref<128xi32, #tpu.memory_space<vmem>>)
        tpu.yield
      }) : () -> ()
      "tpu.region"() ({
        %run_scoped3A = tpu.sem_alloc : memref<!tpu.dma_semaphore, #tpu.memory_space<semaphore_mem>>
        %dma_start3A = tpu.memref_slice %arg3[%multiple_of3A] : memref<323584xf32, #tpu.memory_space<hbm>> -> memref<128xf32, #tpu.memory_space<hbm>>
        %dma_start3A_99 = tpu.memref_slice %arg3[%multiple_of3A] : memref<323584xf32, #tpu.memory_space<hbm>> -> memref<128xf32, #tpu.memory_space<hbm>>
        tpu.enqueue_dma source(%dma_start3A_99 : memref<128xf32, #tpu.memory_space<hbm>>) target(%arg6 : memref<128xf32, #tpu.memory_space<vmem>>) target_semaphore(%run_scoped3A : memref<!tpu.dma_semaphore, #tpu.memory_space<semaphore_mem>>)
        %dma_wait3A = tpu.memref_slice %arg3[%multiple_of3A] : memref<323584xf32, #tpu.memory_space<hbm>> -> memref<128xf32, #tpu.memory_space<hbm>>
        %dma_wait3A_100 = tpu.memref_slice %arg3[%multiple_of3A] : memref<323584xf32, #tpu.memory_space<hbm>> -> memref<128xf32, #tpu.memory_space<hbm>>
        tpu.wait_dma2 semaphore(%run_scoped3A : memref<!tpu.dma_semaphore, #tpu.memory_space<semaphore_mem>>) src(%dma_wait3A_100 : memref<128xf32, #tpu.memory_space<hbm>>) dst(%arg6 : memref<128xf32, #tpu.memory_space<vmem>>)
        tpu.yield
      }) : () -> ()
      "tpu.region"() ({
        %run_scoped3A = tpu.sem_alloc : memref<!tpu.dma_semaphore, #tpu.memory_space<semaphore_mem>>
        %dma_start3A = arith.constant 0 : i32
        %dma_start3A_99 = tpu.memref_slice %arg8[%dma_start3A] : memref<10240xf32, #tpu.memory_space<vmem_shared>> -> memref<10240xf32, #tpu.memory_space<vmem_shared>>
        tpu.enqueue_indirect_dma source(%arg6 : memref<128xf32, #tpu.memory_space<vmem>>) target(%dma_start3A_99 : memref<10240xf32, #tpu.memory_space<vmem_shared>>) offsets(%arg5 : memref<128xi32, #tpu.memory_space<vmem>>) semaphore(%run_scoped3A : memref<!tpu.dma_semaphore, #tpu.memory_space<semaphore_mem>>) {add = true}
        %dma_wait3A = arith.constant 0 : i32
        %dma_wait3A_100 = tpu.memref_slice %arg8[%dma_wait3A] : memref<10240xf32, #tpu.memory_space<vmem_shared>> -> memref<10240xf32, #tpu.memory_space<vmem_shared>>
        tpu.wait_indirect_dma semaphore(%run_scoped3A : memref<!tpu.dma_semaphore, #tpu.memory_space<semaphore_mem>>) src(%arg6 : memref<128xf32, #tpu.memory_space<vmem>>) dst(%dma_wait3A_100 : memref<10240xf32, #tpu.memory_space<vmem_shared>>)
        tpu.yield
      }) : () -> ()
    }
    %scan3A_87 = arith.constant 79 : i32
    %barrier3A_88 = arith.constant 0 : index
    tpu.barrier barrier_id(%barrier3A_88)
    %mul3A_89 = arith.constant 640 : i32
    %mul3A_90 = arith.muli %arg1, %mul3A_89 : i32
    %mul3A_91 = arith.constant 640 : i32
    %mul3A_92 = arith.muli %arg1, %mul3A_91 : i32
    "tpu.region"() ({
      %run_scoped3A = tpu.sem_alloc : memref<!tpu.dma_semaphore, #tpu.memory_space<semaphore_mem>>
      %dma_start3A = tpu.memref_slice %arg4[%arg0, %mul3A_92] : memref<2x10240xf32, #tpu.memory_space<hbm>> -> memref<1x640xf32, #tpu.memory_space<hbm>>
      %dma_start3A_93 = tpu.memref_squeeze %dma_start3A : memref<1x640xf32, #tpu.memory_space<hbm>> -> memref<640xf32, #tpu.memory_space<hbm>>
      %dma_start3A_94 = tpu.memref_slice %arg8[%mul3A_90] : memref<10240xf32, #tpu.memory_space<vmem_shared>> -> memref<640xf32, #tpu.memory_space<vmem_shared>>
      tpu.enqueue_dma source(%dma_start3A_94 : memref<640xf32, #tpu.memory_space<vmem_shared>>) target(%dma_start3A_93 : memref<640xf32, #tpu.memory_space<hbm>>) target_semaphore(%run_scoped3A : memref<!tpu.dma_semaphore, #tpu.memory_space<semaphore_mem>>)
      %dma_wait3A = tpu.memref_slice %arg4[%arg0, %mul3A_92] : memref<2x10240xf32, #tpu.memory_space<hbm>> -> memref<1x640xf32, #tpu.memory_space<hbm>>
      %dma_wait3A_95 = tpu.memref_squeeze %dma_wait3A : memref<1x640xf32, #tpu.memory_space<hbm>> -> memref<640xf32, #tpu.memory_space<hbm>>
      %dma_wait3A_96 = tpu.memref_slice %arg8[%mul3A_90] : memref<10240xf32, #tpu.memory_space<vmem_shared>> -> memref<640xf32, #tpu.memory_space<vmem_shared>>
      tpu.wait_dma2 semaphore(%run_scoped3A : memref<!tpu.dma_semaphore, #tpu.memory_space<semaphore_mem>>) src(%dma_wait3A_96 : memref<640xf32, #tpu.memory_space<vmem_shared>>) dst(%dma_wait3A_95 : memref<640xf32, #tpu.memory_space<hbm>>)
      tpu.yield
    }) : () -> ()
    return
  }
}

#map = affine_map<(d0, d1) -> (0)>
#map1 = affine_map<(d0, d1) -> (0, 0)>
#map2 = affine_map<(d0, d1) -> (0, 0, 0)>
module attributes {stable_mosaic.version = 14 : i64} {
  func.func @_spmm_body(%arg0: i32, %arg1: i32, %arg2: memref<323584xi32, #tpu.memory_space<hbm>>, %arg3: memref<323584xi32, #tpu.memory_space<hbm>>, %arg4: memref<323584xf32, #tpu.memory_space<hbm>>, %arg5: memref<10000x128xf32, #tpu.memory_space<hbm>>, %arg6: memref<2x10240x128xf32, #tpu.memory_space<hbm>>, %arg7: memref<128xi32, #tpu.memory_space<vmem>>, %arg8: memref<128xi32, #tpu.memory_space<vmem>>, %arg9: memref<128xf32, #tpu.memory_space<vmem>>, %arg10: memref<128x128xf32, #tpu.memory_space<vmem>>, %arg11: memref<10240x128xf32, #tpu.memory_space<vmem_shared>>, %arg12: memref<!tpu.dma_semaphore, #tpu.memory_space<semaphore_mem>>) attributes {dimension_semantics = [#tpu.dimension_semantics<core_parallel>, #tpu.dimension_semantics<subcore_parallel>], iteration_bounds = array<i64: 2, 16>, scalar_prefetch = 0 : i64, scratch_operands = 6 : i64, tpu.core_type = #tpu.core_type<sc_vector_subcore>, window_params = [{transform_indices = #map}, {transform_indices = #map}, {transform_indices = #map}, {transform_indices = #map1}, {transform_indices = #map2}]} {
    %mul3A = arith.constant 16 : i32
    %mul3A_0 = arith.muli %arg0, %mul3A : i32
    %add3A = arith.addi %mul3A_0, %arg1 : i32
    %broadcast_in_dim3A = arith.constant 0.000000e+00 : f32
    %broadcast_in_dim3A_1 = vector.broadcast %broadcast_in_dim3A : f32 to vector<16xf32>
    %scan3A = arith.constant 0 : i32
    %scan3A_2 = arith.constant 0 : i32
    %scan3A_3 = arith.constant 128 : i32
    %scan3A_4 = arith.addi %scan3A_2, %scan3A_3 : i32
    %scan3A_5 = arith.constant 1 : i32
    scf.for %scan3A_38 = %scan3A_2 to %scan3A_4 step %scan3A_5  : i32 {
      %swap3A = arith.index_cast %scan3A_38 : i32 to index
      %swap3A_39 = arith.constant 0 : index
      %swap3A_40 = tpu.vector_load %arg10[%swap3A, %swap3A_39] {strides = array<i32>} : memref<128x128xf32, #tpu.memory_space<vmem>>, vector<16xf32>,
      tpu.vector_store %arg10[%swap3A, %swap3A_39], %broadcast_in_dim3A_1 {strides = array<i32>} : memref<128x128xf32, #tpu.memory_space<vmem>>, vector<16xf32>,
      %swap3A_41 = arith.index_cast %scan3A_38 : i32 to index
      %swap3A_42 = arith.constant 16 : index
      %swap3A_43 = tpu.vector_load %arg10[%swap3A_41, %swap3A_42] {strides = array<i32>} : memref<128x128xf32, #tpu.memory_space<vmem>>, vector<16xf32>,
      tpu.vector_store %arg10[%swap3A_41, %swap3A_42], %broadcast_in_dim3A_1 {strides = array<i32>} : memref<128x128xf32, #tpu.memory_space<vmem>>, vector<16xf32>,
      %swap3A_44 = arith.index_cast %scan3A_38 : i32 to index
      %swap3A_45 = arith.constant 32 : index
      %swap3A_46 = tpu.vector_load %arg10[%swap3A_44, %swap3A_45] {strides = array<i32>} : memref<128x128xf32, #tpu.memory_space<vmem>>, vector<16xf32>,
      tpu.vector_store %arg10[%swap3A_44, %swap3A_45], %broadcast_in_dim3A_1 {strides = array<i32>} : memref<128x128xf32, #tpu.memory_space<vmem>>, vector<16xf32>,
      %swap3A_47 = arith.index_cast %scan3A_38 : i32 to index
      %swap3A_48 = arith.constant 48 : index
      %swap3A_49 = tpu.vector_load %arg10[%swap3A_47, %swap3A_48] {strides = array<i32>} : memref<128x128xf32, #tpu.memory_space<vmem>>, vector<16xf32>,
      tpu.vector_store %arg10[%swap3A_47, %swap3A_48], %broadcast_in_dim3A_1 {strides = array<i32>} : memref<128x128xf32, #tpu.memory_space<vmem>>, vector<16xf32>,
      %swap3A_50 = arith.index_cast %scan3A_38 : i32 to index
      %swap3A_51 = arith.constant 64 : index
      %swap3A_52 = tpu.vector_load %arg10[%swap3A_50, %swap3A_51] {strides = array<i32>} : memref<128x128xf32, #tpu.memory_space<vmem>>, vector<16xf32>,
      tpu.vector_store %arg10[%swap3A_50, %swap3A_51], %broadcast_in_dim3A_1 {strides = array<i32>} : memref<128x128xf32, #tpu.memory_space<vmem>>, vector<16xf32>,
      %swap3A_53 = arith.index_cast %scan3A_38 : i32 to index
      %swap3A_54 = arith.constant 80 : index
      %swap3A_55 = tpu.vector_load %arg10[%swap3A_53, %swap3A_54] {strides = array<i32>} : memref<128x128xf32, #tpu.memory_space<vmem>>, vector<16xf32>,
      tpu.vector_store %arg10[%swap3A_53, %swap3A_54], %broadcast_in_dim3A_1 {strides = array<i32>} : memref<128x128xf32, #tpu.memory_space<vmem>>, vector<16xf32>,
      %swap3A_56 = arith.index_cast %scan3A_38 : i32 to index
      %swap3A_57 = arith.constant 96 : index
      %swap3A_58 = tpu.vector_load %arg10[%swap3A_56, %swap3A_57] {strides = array<i32>} : memref<128x128xf32, #tpu.memory_space<vmem>>, vector<16xf32>,
      tpu.vector_store %arg10[%swap3A_56, %swap3A_57], %broadcast_in_dim3A_1 {strides = array<i32>} : memref<128x128xf32, #tpu.memory_space<vmem>>, vector<16xf32>,
      %swap3A_59 = arith.index_cast %scan3A_38 : i32 to index
      %swap3A_60 = arith.constant 112 : index
      %swap3A_61 = tpu.vector_load %arg10[%swap3A_59, %swap3A_60] {strides = array<i32>} : memref<128x128xf32, #tpu.memory_space<vmem>>, vector<16xf32>,
      tpu.vector_store %arg10[%swap3A_59, %swap3A_60], %broadcast_in_dim3A_1 {strides = array<i32>} : memref<128x128xf32, #tpu.memory_space<vmem>>, vector<16xf32>,
    }
    %scan3A_6 = arith.constant 128 : i32
    %mul3A_7 = arith.constant 640 : i32
    %mul3A_8 = arith.muli %arg1, %mul3A_7 : i32
    %add3A_9 = arith.constant 0 : i32
    %add3A_10 = arith.addi %mul3A_8, %add3A_9 : i32
    "tpu.region"() ({
      %run_scoped3A = tpu.sem_alloc : memref<!tpu.dma_semaphore, #tpu.memory_space<semaphore_mem>>
      %dma_start3A = arith.constant 0 : i32
      %dma_start3A_38 = tpu.memref_slice %arg11[%add3A_10, %dma_start3A] : memref<10240x128xf32, #tpu.memory_space<vmem_shared>> -> memref<128x128xf32, #tpu.memory_space<vmem_shared>>
      %dma_start3A_39 = arith.constant 0 : i32
      %dma_start3A_40 = tpu.memref_slice %arg11[%add3A_10, %dma_start3A_39] : memref<10240x128xf32, #tpu.memory_space<vmem_shared>> -> memref<128x128xf32, #tpu.memory_space<vmem_shared>>
      tpu.enqueue_dma source(%arg10 : memref<128x128xf32, #tpu.memory_space<vmem>>) target(%dma_start3A_40 : memref<128x128xf32, #tpu.memory_space<vmem_shared>>) target_semaphore(%run_scoped3A : memref<!tpu.dma_semaphore, #tpu.memory_space<semaphore_mem>>)
      %dma_wait3A = arith.constant 0 : i32
      %dma_wait3A_41 = tpu.memref_slice %arg11[%add3A_10, %dma_wait3A] : memref<10240x128xf32, #tpu.memory_space<vmem_shared>> -> memref<128x128xf32, #tpu.memory_space<vmem_shared>>
      %dma_wait3A_42 = arith.constant 0 : i32
      %dma_wait3A_43 = tpu.memref_slice %arg11[%add3A_10, %dma_wait3A_42] : memref<10240x128xf32, #tpu.memory_space<vmem_shared>> -> memref<128x128xf32, #tpu.memory_space<vmem_shared>>
      tpu.wait_dma2 semaphore(%run_scoped3A : memref<!tpu.dma_semaphore, #tpu.memory_space<semaphore_mem>>) src(%arg10 : memref<128x128xf32, #tpu.memory_space<vmem>>) dst(%dma_wait3A_43 : memref<128x128xf32, #tpu.memory_space<vmem_shared>>)
      tpu.yield
    }) : () -> ()
    %mul3A_11 = arith.constant 640 : i32
    %mul3A_12 = arith.muli %arg1, %mul3A_11 : i32
    %add3A_13 = arith.constant 128 : i32
    %add3A_14 = arith.addi %mul3A_12, %add3A_13 : i32
    "tpu.region"() ({
      %run_scoped3A = tpu.sem_alloc : memref<!tpu.dma_semaphore, #tpu.memory_space<semaphore_mem>>
      %dma_start3A = arith.constant 0 : i32
      %dma_start3A_38 = tpu.memref_slice %arg11[%add3A_14, %dma_start3A] : memref<10240x128xf32, #tpu.memory_space<vmem_shared>> -> memref<128x128xf32, #tpu.memory_space<vmem_shared>>
      %dma_start3A_39 = arith.constant 0 : i32
      %dma_start3A_40 = tpu.memref_slice %arg11[%add3A_14, %dma_start3A_39] : memref<10240x128xf32, #tpu.memory_space<vmem_shared>> -> memref<128x128xf32, #tpu.memory_space<vmem_shared>>
      tpu.enqueue_dma source(%arg10 : memref<128x128xf32, #tpu.memory_space<vmem>>) target(%dma_start3A_40 : memref<128x128xf32, #tpu.memory_space<vmem_shared>>) target_semaphore(%run_scoped3A : memref<!tpu.dma_semaphore, #tpu.memory_space<semaphore_mem>>)
      %dma_wait3A = arith.constant 0 : i32
      %dma_wait3A_41 = tpu.memref_slice %arg11[%add3A_14, %dma_wait3A] : memref<10240x128xf32, #tpu.memory_space<vmem_shared>> -> memref<128x128xf32, #tpu.memory_space<vmem_shared>>
      %dma_wait3A_42 = arith.constant 0 : i32
      %dma_wait3A_43 = tpu.memref_slice %arg11[%add3A_14, %dma_wait3A_42] : memref<10240x128xf32, #tpu.memory_space<vmem_shared>> -> memref<128x128xf32, #tpu.memory_space<vmem_shared>>
      tpu.wait_dma2 semaphore(%run_scoped3A : memref<!tpu.dma_semaphore, #tpu.memory_space<semaphore_mem>>) src(%arg10 : memref<128x128xf32, #tpu.memory_space<vmem>>) dst(%dma_wait3A_43 : memref<128x128xf32, #tpu.memory_space<vmem_shared>>)
      tpu.yield
    }) : () -> ()
    %mul3A_15 = arith.constant 640 : i32
    %mul3A_16 = arith.muli %arg1, %mul3A_15 : i32
    %add3A_17 = arith.constant 256 : i32
    %add3A_18 = arith.addi %mul3A_16, %add3A_17 : i32
    "tpu.region"() ({
      %run_scoped3A = tpu.sem_alloc : memref<!tpu.dma_semaphore, #tpu.memory_space<semaphore_mem>>
      %dma_start3A = arith.constant 0 : i32
      %dma_start3A_38 = tpu.memref_slice %arg11[%add3A_18, %dma_start3A] : memref<10240x128xf32, #tpu.memory_space<vmem_shared>> -> memref<128x128xf32, #tpu.memory_space<vmem_shared>>
      %dma_start3A_39 = arith.constant 0 : i32
      %dma_start3A_40 = tpu.memref_slice %arg11[%add3A_18, %dma_start3A_39] : memref<10240x128xf32, #tpu.memory_space<vmem_shared>> -> memref<128x128xf32, #tpu.memory_space<vmem_shared>>
      tpu.enqueue_dma source(%arg10 : memref<128x128xf32, #tpu.memory_space<vmem>>) target(%dma_start3A_40 : memref<128x128xf32, #tpu.memory_space<vmem_shared>>) target_semaphore(%run_scoped3A : memref<!tpu.dma_semaphore, #tpu.memory_space<semaphore_mem>>)
      %dma_wait3A = arith.constant 0 : i32
      %dma_wait3A_41 = tpu.memref_slice %arg11[%add3A_18, %dma_wait3A] : memref<10240x128xf32, #tpu.memory_space<vmem_shared>> -> memref<128x128xf32, #tpu.memory_space<vmem_shared>>
      %dma_wait3A_42 = arith.constant 0 : i32
      %dma_wait3A_43 = tpu.memref_slice %arg11[%add3A_18, %dma_wait3A_42] : memref<10240x128xf32, #tpu.memory_space<vmem_shared>> -> memref<128x128xf32, #tpu.memory_space<vmem_shared>>
      tpu.wait_dma2 semaphore(%run_scoped3A : memref<!tpu.dma_semaphore, #tpu.memory_space<semaphore_mem>>) src(%arg10 : memref<128x128xf32, #tpu.memory_space<vmem>>) dst(%dma_wait3A_43 : memref<128x128xf32, #tpu.memory_space<vmem_shared>>)
      tpu.yield
    }) : () -> ()
    %mul3A_19 = arith.constant 640 : i32
    %mul3A_20 = arith.muli %arg1, %mul3A_19 : i32
    %add3A_21 = arith.constant 384 : i32
    %add3A_22 = arith.addi %mul3A_20, %add3A_21 : i32
    "tpu.region"() ({
      %run_scoped3A = tpu.sem_alloc : memref<!tpu.dma_semaphore, #tpu.memory_space<semaphore_mem>>
      %dma_start3A = arith.constant 0 : i32
      %dma_start3A_38 = tpu.memref_slice %arg11[%add3A_22, %dma_start3A] : memref<10240x128xf32, #tpu.memory_space<vmem_shared>> -> memref<128x128xf32, #tpu.memory_space<vmem_shared>>
      %dma_start3A_39 = arith.constant 0 : i32
      %dma_start3A_40 = tpu.memref_slice %arg11[%add3A_22, %dma_start3A_39] : memref<10240x128xf32, #tpu.memory_space<vmem_shared>> -> memref<128x128xf32, #tpu.memory_space<vmem_shared>>
      tpu.enqueue_dma source(%arg10 : memref<128x128xf32, #tpu.memory_space<vmem>>) target(%dma_start3A_40 : memref<128x128xf32, #tpu.memory_space<vmem_shared>>) target_semaphore(%run_scoped3A : memref<!tpu.dma_semaphore, #tpu.memory_space<semaphore_mem>>)
      %dma_wait3A = arith.constant 0 : i32
      %dma_wait3A_41 = tpu.memref_slice %arg11[%add3A_22, %dma_wait3A] : memref<10240x128xf32, #tpu.memory_space<vmem_shared>> -> memref<128x128xf32, #tpu.memory_space<vmem_shared>>
      %dma_wait3A_42 = arith.constant 0 : i32
      %dma_wait3A_43 = tpu.memref_slice %arg11[%add3A_22, %dma_wait3A_42] : memref<10240x128xf32, #tpu.memory_space<vmem_shared>> -> memref<128x128xf32, #tpu.memory_space<vmem_shared>>
      tpu.wait_dma2 semaphore(%run_scoped3A : memref<!tpu.dma_semaphore, #tpu.memory_space<semaphore_mem>>) src(%arg10 : memref<128x128xf32, #tpu.memory_space<vmem>>) dst(%dma_wait3A_43 : memref<128x128xf32, #tpu.memory_space<vmem_shared>>)
      tpu.yield
    }) : () -> ()
    %mul3A_23 = arith.constant 640 : i32
    %mul3A_24 = arith.muli %arg1, %mul3A_23 : i32
    %add3A_25 = arith.constant 512 : i32
    %add3A_26 = arith.addi %mul3A_24, %add3A_25 : i32
    "tpu.region"() ({
      %run_scoped3A = tpu.sem_alloc : memref<!tpu.dma_semaphore, #tpu.memory_space<semaphore_mem>>
      %dma_start3A = arith.constant 0 : i32
      %dma_start3A_38 = tpu.memref_slice %arg11[%add3A_26, %dma_start3A] : memref<10240x128xf32, #tpu.memory_space<vmem_shared>> -> memref<128x128xf32, #tpu.memory_space<vmem_shared>>
      %dma_start3A_39 = arith.constant 0 : i32
      %dma_start3A_40 = tpu.memref_slice %arg11[%add3A_26, %dma_start3A_39] : memref<10240x128xf32, #tpu.memory_space<vmem_shared>> -> memref<128x128xf32, #tpu.memory_space<vmem_shared>>
      tpu.enqueue_dma source(%arg10 : memref<128x128xf32, #tpu.memory_space<vmem>>) target(%dma_start3A_40 : memref<128x128xf32, #tpu.memory_space<vmem_shared>>) target_semaphore(%run_scoped3A : memref<!tpu.dma_semaphore, #tpu.memory_space<semaphore_mem>>)
      %dma_wait3A = arith.constant 0 : i32
      %dma_wait3A_41 = tpu.memref_slice %arg11[%add3A_26, %dma_wait3A] : memref<10240x128xf32, #tpu.memory_space<vmem_shared>> -> memref<128x128xf32, #tpu.memory_space<vmem_shared>>
      %dma_wait3A_42 = arith.constant 0 : i32
      %dma_wait3A_43 = tpu.memref_slice %arg11[%add3A_26, %dma_wait3A_42] : memref<10240x128xf32, #tpu.memory_space<vmem_shared>> -> memref<128x128xf32, #tpu.memory_space<vmem_shared>>
      tpu.wait_dma2 semaphore(%run_scoped3A : memref<!tpu.dma_semaphore, #tpu.memory_space<semaphore_mem>>) src(%arg10 : memref<128x128xf32, #tpu.memory_space<vmem>>) dst(%dma_wait3A_43 : memref<128x128xf32, #tpu.memory_space<vmem_shared>>)
      tpu.yield
    }) : () -> ()
    %barrier3A = arith.constant 0 : index
    tpu.barrier barrier_id(%barrier3A)
    %scan3A_27 = arith.constant 0 : i32
    %scan3A_28 = arith.constant 0 : i32
    %scan3A_29 = arith.constant 79 : i32
    %scan3A_30 = arith.addi %scan3A_28, %scan3A_29 : i32
    %scan3A_31 = arith.constant 1 : i32
    scf.for %scan3A_38 = %scan3A_28 to %scan3A_30 step %scan3A_31  : i32 {
      %mul3A_39 = arith.constant 10112 : i32
      %mul3A_40 = arith.muli %add3A, %mul3A_39 : i32
      %mul3A_41 = arith.constant 128 : i32
      %mul3A_42 = arith.muli %scan3A_38, %mul3A_41 : i32
      %add3A_43 = arith.addi %mul3A_40, %mul3A_42 : i32
      %multiple_of3A = tpu.assume_multiple %add3A_43, 128 : i32
      "tpu.region"() ({
        %run_scoped3A = tpu.sem_alloc : memref<!tpu.dma_semaphore, #tpu.memory_space<semaphore_mem>>
        %dma_start3A_54 = tpu.memref_slice %arg2[%multiple_of3A] : memref<323584xi32, #tpu.memory_space<hbm>> -> memref<128xi32, #tpu.memory_space<hbm>>
        %dma_start3A_55 = tpu.memref_slice %arg2[%multiple_of3A] : memref<323584xi32, #tpu.memory_space<hbm>> -> memref<128xi32, #tpu.memory_space<hbm>>
        tpu.enqueue_dma source(%dma_start3A_55 : memref<128xi32, #tpu.memory_space<hbm>>) target(%arg7 : memref<128xi32, #tpu.memory_space<vmem>>) target_semaphore(%run_scoped3A : memref<!tpu.dma_semaphore, #tpu.memory_space<semaphore_mem>>)
        %dma_wait3A_56 = tpu.memref_slice %arg2[%multiple_of3A] : memref<323584xi32, #tpu.memory_space<hbm>> -> memref<128xi32, #tpu.memory_space<hbm>>
        %dma_wait3A_57 = tpu.memref_slice %arg2[%multiple_of3A] : memref<323584xi32, #tpu.memory_space<hbm>> -> memref<128xi32, #tpu.memory_space<hbm>>
        tpu.wait_dma2 semaphore(%run_scoped3A : memref<!tpu.dma_semaphore, #tpu.memory_space<semaphore_mem>>) src(%dma_wait3A_57 : memref<128xi32, #tpu.memory_space<hbm>>) dst(%arg7 : memref<128xi32, #tpu.memory_space<vmem>>)
        tpu.yield
      }) : () -> ()
      "tpu.region"() ({
        %run_scoped3A = tpu.sem_alloc : memref<!tpu.dma_semaphore, #tpu.memory_space<semaphore_mem>>
        %dma_start3A_54 = tpu.memref_slice %arg3[%multiple_of3A] : memref<323584xi32, #tpu.memory_space<hbm>> -> memref<128xi32, #tpu.memory_space<hbm>>
        %dma_start3A_55 = tpu.memref_slice %arg3[%multiple_of3A] : memref<323584xi32, #tpu.memory_space<hbm>> -> memref<128xi32, #tpu.memory_space<hbm>>
        tpu.enqueue_dma source(%dma_start3A_55 : memref<128xi32, #tpu.memory_space<hbm>>) target(%arg8 : memref<128xi32, #tpu.memory_space<vmem>>) target_semaphore(%run_scoped3A : memref<!tpu.dma_semaphore, #tpu.memory_space<semaphore_mem>>)
        %dma_wait3A_56 = tpu.memref_slice %arg3[%multiple_of3A] : memref<323584xi32, #tpu.memory_space<hbm>> -> memref<128xi32, #tpu.memory_space<hbm>>
        %dma_wait3A_57 = tpu.memref_slice %arg3[%multiple_of3A] : memref<323584xi32, #tpu.memory_space<hbm>> -> memref<128xi32, #tpu.memory_space<hbm>>
        tpu.wait_dma2 semaphore(%run_scoped3A : memref<!tpu.dma_semaphore, #tpu.memory_space<semaphore_mem>>) src(%dma_wait3A_57 : memref<128xi32, #tpu.memory_space<hbm>>) dst(%arg8 : memref<128xi32, #tpu.memory_space<vmem>>)
        tpu.yield
      }) : () -> ()
      "tpu.region"() ({
        %run_scoped3A = tpu.sem_alloc : memref<!tpu.dma_semaphore, #tpu.memory_space<semaphore_mem>>
        %dma_start3A_54 = tpu.memref_slice %arg4[%multiple_of3A] : memref<323584xf32, #tpu.memory_space<hbm>> -> memref<128xf32, #tpu.memory_space<hbm>>
        %dma_start3A_55 = tpu.memref_slice %arg4[%multiple_of3A] : memref<323584xf32, #tpu.memory_space<hbm>> -> memref<128xf32, #tpu.memory_space<hbm>>
        tpu.enqueue_dma source(%dma_start3A_55 : memref<128xf32, #tpu.memory_space<hbm>>) target(%arg9 : memref<128xf32, #tpu.memory_space<vmem>>) target_semaphore(%run_scoped3A : memref<!tpu.dma_semaphore, #tpu.memory_space<semaphore_mem>>)
        %dma_wait3A_56 = tpu.memref_slice %arg4[%multiple_of3A] : memref<323584xf32, #tpu.memory_space<hbm>> -> memref<128xf32, #tpu.memory_space<hbm>>
        %dma_wait3A_57 = tpu.memref_slice %arg4[%multiple_of3A] : memref<323584xf32, #tpu.memory_space<hbm>> -> memref<128xf32, #tpu.memory_space<hbm>>
        tpu.wait_dma2 semaphore(%run_scoped3A : memref<!tpu.dma_semaphore, #tpu.memory_space<semaphore_mem>>) src(%dma_wait3A_57 : memref<128xf32, #tpu.memory_space<hbm>>) dst(%arg9 : memref<128xf32, #tpu.memory_space<vmem>>)
        tpu.yield
      }) : () -> ()
      %dma_start3A = arith.constant 0 : i32
      %dma_start3A_44 = arith.constant 0 : i32
      %dma_start3A_45 = tpu.memref_slice %arg5[%dma_start3A, %dma_start3A_44] : memref<10000x128xf32, #tpu.memory_space<hbm>> -> memref<10000x128xf32, #tpu.memory_space<hbm>>
      tpu.enqueue_indirect_dma source(%dma_start3A_45 : memref<10000x128xf32, #tpu.memory_space<hbm>>) target(%arg10 : memref<128x128xf32, #tpu.memory_space<vmem>>) offsets(%arg7 : memref<128xi32, #tpu.memory_space<vmem>>) semaphore(%arg12 : memref<!tpu.dma_semaphore, #tpu.memory_space<semaphore_mem>>)
      %dma_wait3A = arith.constant 0 : i32
      %dma_wait3A_46 = arith.constant 0 : i32
      %dma_wait3A_47 = tpu.memref_slice %arg5[%dma_wait3A, %dma_wait3A_46] : memref<10000x128xf32, #tpu.memory_space<hbm>> -> memref<10000x128xf32, #tpu.memory_space<hbm>>
      tpu.wait_indirect_dma semaphore(%arg12 : memref<!tpu.dma_semaphore, #tpu.memory_space<semaphore_mem>>) src(%dma_wait3A_47 : memref<10000x128xf32, #tpu.memory_space<hbm>>) dst(%arg10 : memref<128x128xf32, #tpu.memory_space<vmem>>)
      %scan3A_48 = arith.constant 0 : i32
      %scan3A_49 = arith.constant 0 : i32
      %scan3A_50 = arith.constant 32 : i32
      %scan3A_51 = arith.addi %scan3A_49, %scan3A_50 : i32
      %scan3A_52 = arith.constant 1 : i32
      scf.for %scan3A_54 = %scan3A_49 to %scan3A_51 step %scan3A_52  : i32 {
        %mul3A_55 = arith.constant 4 : i32
        %mul3A_56 = arith.muli %scan3A_54, %mul3A_55 : i32
        %add3A_57 = arith.constant 0 : i32
        %add3A_58 = arith.addi %mul3A_56, %add3A_57 : i32
        %broadcast_in_dim3A_59 = arith.constant 0 : i32
        %broadcast_in_dim3A_60 = vector.broadcast %broadcast_in_dim3A_59 : i32 to vector<16xi32>
        %add3A_61 = vector.broadcast %add3A_58 : i32 to vector<16xi32>
        %add3A_62 = arith.addi %broadcast_in_dim3A_60, %add3A_61 : vector<16xi32>
        %gather3A = tpu.vector_load_idx %arg9[%add3A_62] : memref<128xf32, #tpu.memory_space<vmem>>[vector<16xi32>], vector<16xf32>,
        %get3A = arith.index_cast %add3A_58 : i32 to index
        %get3A_63 = arith.constant 0 : index
        %get3A_64 = tpu.vector_load %arg10[%get3A, %get3A_63] {strides = array<i32>} : memref<128x128xf32, #tpu.memory_space<vmem>>, vector<16xf32>,
        %mul3A_65 = arith.mulf %get3A_64, %gather3A : vector<16xf32>
        %swap3A = arith.index_cast %add3A_58 : i32 to index
        %swap3A_66 = arith.constant 0 : index
        %swap3A_67 = tpu.vector_load %arg10[%swap3A, %swap3A_66] {strides = array<i32>} : memref<128x128xf32, #tpu.memory_space<vmem>>, vector<16xf32>,
        tpu.vector_store %arg10[%swap3A, %swap3A_66], %mul3A_65 {strides = array<i32>} : memref<128x128xf32, #tpu.memory_space<vmem>>, vector<16xf32>,
        %get3A_68 = arith.index_cast %add3A_58 : i32 to index
        %get3A_69 = arith.constant 16 : index
        %get3A_70 = tpu.vector_load %arg10[%get3A_68, %get3A_69] {strides = array<i32>} : memref<128x128xf32, #tpu.memory_space<vmem>>, vector<16xf32>,
        %mul3A_71 = arith.mulf %get3A_70, %gather3A : vector<16xf32>
        %swap3A_72 = arith.index_cast %add3A_58 : i32 to index
        %swap3A_73 = arith.constant 16 : index
        %swap3A_74 = tpu.vector_load %arg10[%swap3A_72, %swap3A_73] {strides = array<i32>} : memref<128x128xf32, #tpu.memory_space<vmem>>, vector<16xf32>,
        tpu.vector_store %arg10[%swap3A_72, %swap3A_73], %mul3A_71 {strides = array<i32>} : memref<128x128xf32, #tpu.memory_space<vmem>>, vector<16xf32>,
        %get3A_75 = arith.index_cast %add3A_58 : i32 to index
        %get3A_76 = arith.constant 32 : index
        %get3A_77 = tpu.vector_load %arg10[%get3A_75, %get3A_76] {strides = array<i32>} : memref<128x128xf32, #tpu.memory_space<vmem>>, vector<16xf32>,
        %mul3A_78 = arith.mulf %get3A_77, %gather3A : vector<16xf32>
        %swap3A_79 = arith.index_cast %add3A_58 : i32 to index
        %swap3A_80 = arith.constant 32 : index
        %swap3A_81 = tpu.vector_load %arg10[%swap3A_79, %swap3A_80] {strides = array<i32>} : memref<128x128xf32, #tpu.memory_space<vmem>>, vector<16xf32>,
        tpu.vector_store %arg10[%swap3A_79, %swap3A_80], %mul3A_78 {strides = array<i32>} : memref<128x128xf32, #tpu.memory_space<vmem>>, vector<16xf32>,
        %get3A_82 = arith.index_cast %add3A_58 : i32 to index
        %get3A_83 = arith.constant 48 : index
        %get3A_84 = tpu.vector_load %arg10[%get3A_82, %get3A_83] {strides = array<i32>} : memref<128x128xf32, #tpu.memory_space<vmem>>, vector<16xf32>,
        %mul3A_85 = arith.mulf %get3A_84, %gather3A : vector<16xf32>
        %swap3A_86 = arith.index_cast %add3A_58 : i32 to index
        %swap3A_87 = arith.constant 48 : index
        %swap3A_88 = tpu.vector_load %arg10[%swap3A_86, %swap3A_87] {strides = array<i32>} : memref<128x128xf32, #tpu.memory_space<vmem>>, vector<16xf32>,
        tpu.vector_store %arg10[%swap3A_86, %swap3A_87], %mul3A_85 {strides = array<i32>} : memref<128x128xf32, #tpu.memory_space<vmem>>, vector<16xf32>,
        %get3A_89 = arith.index_cast %add3A_58 : i32 to index
        %get3A_90 = arith.constant 64 : index
        %get3A_91 = tpu.vector_load %arg10[%get3A_89, %get3A_90] {strides = array<i32>} : memref<128x128xf32, #tpu.memory_space<vmem>>, vector<16xf32>,
        %mul3A_92 = arith.mulf %get3A_91, %gather3A : vector<16xf32>
        %swap3A_93 = arith.index_cast %add3A_58 : i32 to index
        %swap3A_94 = arith.constant 64 : index
        %swap3A_95 = tpu.vector_load %arg10[%swap3A_93, %swap3A_94] {strides = array<i32>} : memref<128x128xf32, #tpu.memory_space<vmem>>, vector<16xf32>,
        tpu.vector_store %arg10[%swap3A_93, %swap3A_94], %mul3A_92 {strides = array<i32>} : memref<128x128xf32, #tpu.memory_space<vmem>>, vector<16xf32>,
        %get3A_96 = arith.index_cast %add3A_58 : i32 to index
        %get3A_97 = arith.constant 80 : index
        %get3A_98 = tpu.vector_load %arg10[%get3A_96, %get3A_97] {strides = array<i32>} : memref<128x128xf32, #tpu.memory_space<vmem>>, vector<16xf32>,
        %mul3A_99 = arith.mulf %get3A_98, %gather3A : vector<16xf32>
        %swap3A_100 = arith.index_cast %add3A_58 : i32 to index
        %swap3A_101 = arith.constant 80 : index
        %swap3A_102 = tpu.vector_load %arg10[%swap3A_100, %swap3A_101] {strides = array<i32>} : memref<128x128xf32, #tpu.memory_space<vmem>>, vector<16xf32>,
        tpu.vector_store %arg10[%swap3A_100, %swap3A_101], %mul3A_99 {strides = array<i32>} : memref<128x128xf32, #tpu.memory_space<vmem>>, vector<16xf32>,
        %get3A_103 = arith.index_cast %add3A_58 : i32 to index
        %get3A_104 = arith.constant 96 : index
        %get3A_105 = tpu.vector_load %arg10[%get3A_103, %get3A_104] {strides = array<i32>} : memref<128x128xf32, #tpu.memory_space<vmem>>, vector<16xf32>,
        %mul3A_106 = arith.mulf %get3A_105, %gather3A : vector<16xf32>
        %swap3A_107 = arith.index_cast %add3A_58 : i32 to index
        %swap3A_108 = arith.constant 96 : index
        %swap3A_109 = tpu.vector_load %arg10[%swap3A_107, %swap3A_108] {strides = array<i32>} : memref<128x128xf32, #tpu.memory_space<vmem>>, vector<16xf32>,
        tpu.vector_store %arg10[%swap3A_107, %swap3A_108], %mul3A_106 {strides = array<i32>} : memref<128x128xf32, #tpu.memory_space<vmem>>, vector<16xf32>,
        %get3A_110 = arith.index_cast %add3A_58 : i32 to index
        %get3A_111 = arith.constant 112 : index
        %get3A_112 = tpu.vector_load %arg10[%get3A_110, %get3A_111] {strides = array<i32>} : memref<128x128xf32, #tpu.memory_space<vmem>>, vector<16xf32>,
        %mul3A_113 = arith.mulf %get3A_112, %gather3A : vector<16xf32>
        %swap3A_114 = arith.index_cast %add3A_58 : i32 to index
        %swap3A_115 = arith.constant 112 : index
        %swap3A_116 = tpu.vector_load %arg10[%swap3A_114, %swap3A_115] {strides = array<i32>} : memref<128x128xf32, #tpu.memory_space<vmem>>, vector<16xf32>,
        tpu.vector_store %arg10[%swap3A_114, %swap3A_115], %mul3A_113 {strides = array<i32>} : memref<128x128xf32, #tpu.memory_space<vmem>>, vector<16xf32>,
        %mul3A_117 = arith.constant 4 : i32
        %mul3A_118 = arith.muli %scan3A_54, %mul3A_117 : i32
        %add3A_119 = arith.constant 1 : i32
        %add3A_120 = arith.addi %mul3A_118, %add3A_119 : i32
        %broadcast_in_dim3A_121 = arith.constant 0 : i32
        %broadcast_in_dim3A_122 = vector.broadcast %broadcast_in_dim3A_121 : i32 to vector<16xi32>
        %add3A_123 = vector.broadcast %add3A_120 : i32 to vector<16xi32>
        %add3A_124 = arith.addi %broadcast_in_dim3A_122, %add3A_123 : vector<16xi32>
        %gather3A_125 = tpu.vector_load_idx %arg9[%add3A_124] : memref<128xf32, #tpu.memory_space<vmem>>[vector<16xi32>], vector<16xf32>,
        %get3A_126 = arith.index_cast %add3A_120 : i32 to index
        %get3A_127 = arith.constant 0 : index
        %get3A_128 = tpu.vector_load %arg10[%get3A_126, %get3A_127] {strides = array<i32>} : memref<128x128xf32, #tpu.memory_space<vmem>>, vector<16xf32>,
        %mul3A_129 = arith.mulf %get3A_128, %gather3A_125 : vector<16xf32>
        %swap3A_130 = arith.index_cast %add3A_120 : i32 to index
        %swap3A_131 = arith.constant 0 : index
        %swap3A_132 = tpu.vector_load %arg10[%swap3A_130, %swap3A_131] {strides = array<i32>} : memref<128x128xf32, #tpu.memory_space<vmem>>, vector<16xf32>,
        tpu.vector_store %arg10[%swap3A_130, %swap3A_131], %mul3A_129 {strides = array<i32>} : memref<128x128xf32, #tpu.memory_space<vmem>>, vector<16xf32>,
        %get3A_133 = arith.index_cast %add3A_120 : i32 to index
        %get3A_134 = arith.constant 16 : index
        %get3A_135 = tpu.vector_load %arg10[%get3A_133, %get3A_134] {strides = array<i32>} : memref<128x128xf32, #tpu.memory_space<vmem>>, vector<16xf32>,
        %mul3A_136 = arith.mulf %get3A_135, %gather3A_125 : vector<16xf32>
        %swap3A_137 = arith.index_cast %add3A_120 : i32 to index
        %swap3A_138 = arith.constant 16 : index
        %swap3A_139 = tpu.vector_load %arg10[%swap3A_137, %swap3A_138] {strides = array<i32>} : memref<128x128xf32, #tpu.memory_space<vmem>>, vector<16xf32>,
        tpu.vector_store %arg10[%swap3A_137, %swap3A_138], %mul3A_136 {strides = array<i32>} : memref<128x128xf32, #tpu.memory_space<vmem>>, vector<16xf32>,
        %get3A_140 = arith.index_cast %add3A_120 : i32 to index
        %get3A_141 = arith.constant 32 : index
        %get3A_142 = tpu.vector_load %arg10[%get3A_140, %get3A_141] {strides = array<i32>} : memref<128x128xf32, #tpu.memory_space<vmem>>, vector<16xf32>,
        %mul3A_143 = arith.mulf %get3A_142, %gather3A_125 : vector<16xf32>
        %swap3A_144 = arith.index_cast %add3A_120 : i32 to index
        %swap3A_145 = arith.constant 32 : index
        %swap3A_146 = tpu.vector_load %arg10[%swap3A_144, %swap3A_145] {strides = array<i32>} : memref<128x128xf32, #tpu.memory_space<vmem>>, vector<16xf32>,
        tpu.vector_store %arg10[%swap3A_144, %swap3A_145], %mul3A_143 {strides = array<i32>} : memref<128x128xf32, #tpu.memory_space<vmem>>, vector<16xf32>,
        %get3A_147 = arith.index_cast %add3A_120 : i32 to index
        %get3A_148 = arith.constant 48 : index
        %get3A_149 = tpu.vector_load %arg10[%get3A_147, %get3A_148] {strides = array<i32>} : memref<128x128xf32, #tpu.memory_space<vmem>>, vector<16xf32>,
        %mul3A_150 = arith.mulf %get3A_149, %gather3A_125 : vector<16xf32>
        %swap3A_151 = arith.index_cast %add3A_120 : i32 to index
        %swap3A_152 = arith.constant 48 : index
        %swap3A_153 = tpu.vector_load %arg10[%swap3A_151, %swap3A_152] {strides = array<i32>} : memref<128x128xf32, #tpu.memory_space<vmem>>, vector<16xf32>,
        tpu.vector_store %arg10[%swap3A_151, %swap3A_152], %mul3A_150 {strides = array<i32>} : memref<128x128xf32, #tpu.memory_space<vmem>>, vector<16xf32>,
        %get3A_154 = arith.index_cast %add3A_120 : i32 to index
        %get3A_155 = arith.constant 64 : index
        %get3A_156 = tpu.vector_load %arg10[%get3A_154, %get3A_155] {strides = array<i32>} : memref<128x128xf32, #tpu.memory_space<vmem>>, vector<16xf32>,
        %mul3A_157 = arith.mulf %get3A_156, %gather3A_125 : vector<16xf32>
        %swap3A_158 = arith.index_cast %add3A_120 : i32 to index
        %swap3A_159 = arith.constant 64 : index
        %swap3A_160 = tpu.vector_load %arg10[%swap3A_158, %swap3A_159] {strides = array<i32>} : memref<128x128xf32, #tpu.memory_space<vmem>>, vector<16xf32>,
        tpu.vector_store %arg10[%swap3A_158, %swap3A_159], %mul3A_157 {strides = array<i32>} : memref<128x128xf32, #tpu.memory_space<vmem>>, vector<16xf32>,
        %get3A_161 = arith.index_cast %add3A_120 : i32 to index
        %get3A_162 = arith.constant 80 : index
        %get3A_163 = tpu.vector_load %arg10[%get3A_161, %get3A_162] {strides = array<i32>} : memref<128x128xf32, #tpu.memory_space<vmem>>, vector<16xf32>,
        %mul3A_164 = arith.mulf %get3A_163, %gather3A_125 : vector<16xf32>
        %swap3A_165 = arith.index_cast %add3A_120 : i32 to index
        %swap3A_166 = arith.constant 80 : index
        %swap3A_167 = tpu.vector_load %arg10[%swap3A_165, %swap3A_166] {strides = array<i32>} : memref<128x128xf32, #tpu.memory_space<vmem>>, vector<16xf32>,
        tpu.vector_store %arg10[%swap3A_165, %swap3A_166], %mul3A_164 {strides = array<i32>} : memref<128x128xf32, #tpu.memory_space<vmem>>, vector<16xf32>,
        %get3A_168 = arith.index_cast %add3A_120 : i32 to index
        %get3A_169 = arith.constant 96 : index
        %get3A_170 = tpu.vector_load %arg10[%get3A_168, %get3A_169] {strides = array<i32>} : memref<128x128xf32, #tpu.memory_space<vmem>>, vector<16xf32>,
        %mul3A_171 = arith.mulf %get3A_170, %gather3A_125 : vector<16xf32>
        %swap3A_172 = arith.index_cast %add3A_120 : i32 to index
        %swap3A_173 = arith.constant 96 : index
        %swap3A_174 = tpu.vector_load %arg10[%swap3A_172, %swap3A_173] {strides = array<i32>} : memref<128x128xf32, #tpu.memory_space<vmem>>, vector<16xf32>,
        tpu.vector_store %arg10[%swap3A_172, %swap3A_173], %mul3A_171 {strides = array<i32>} : memref<128x128xf32, #tpu.memory_space<vmem>>, vector<16xf32>,
        %get3A_175 = arith.index_cast %add3A_120 : i32 to index
        %get3A_176 = arith.constant 112 : index
        %get3A_177 = tpu.vector_load %arg10[%get3A_175, %get3A_176] {strides = array<i32>} : memref<128x128xf32, #tpu.memory_space<vmem>>, vector<16xf32>,
        %mul3A_178 = arith.mulf %get3A_177, %gather3A_125 : vector<16xf32>
        %swap3A_179 = arith.index_cast %add3A_120 : i32 to index
        %swap3A_180 = arith.constant 112 : index
        %swap3A_181 = tpu.vector_load %arg10[%swap3A_179, %swap3A_180] {strides = array<i32>} : memref<128x128xf32, #tpu.memory_space<vmem>>, vector<16xf32>,
        tpu.vector_store %arg10[%swap3A_179, %swap3A_180], %mul3A_178 {strides = array<i32>} : memref<128x128xf32, #tpu.memory_space<vmem>>, vector<16xf32>,
        %mul3A_182 = arith.constant 4 : i32
        %mul3A_183 = arith.muli %scan3A_54, %mul3A_182 : i32
        %add3A_184 = arith.constant 2 : i32
        %add3A_185 = arith.addi %mul3A_183, %add3A_184 : i32
        %broadcast_in_dim3A_186 = arith.constant 0 : i32
        %broadcast_in_dim3A_187 = vector.broadcast %broadcast_in_dim3A_186 : i32 to vector<16xi32>
        %add3A_188 = vector.broadcast %add3A_185 : i32 to vector<16xi32>
        %add3A_189 = arith.addi %broadcast_in_dim3A_187, %add3A_188 : vector<16xi32>
        %gather3A_190 = tpu.vector_load_idx %arg9[%add3A_189] : memref<128xf32, #tpu.memory_space<vmem>>[vector<16xi32>], vector<16xf32>,
        %get3A_191 = arith.index_cast %add3A_185 : i32 to index
        %get3A_192 = arith.constant 0 : index
        %get3A_193 = tpu.vector_load %arg10[%get3A_191, %get3A_192] {strides = array<i32>} : memref<128x128xf32, #tpu.memory_space<vmem>>, vector<16xf32>,
        %mul3A_194 = arith.mulf %get3A_193, %gather3A_190 : vector<16xf32>
        %swap3A_195 = arith.index_cast %add3A_185 : i32 to index
        %swap3A_196 = arith.constant 0 : index
        %swap3A_197 = tpu.vector_load %arg10[%swap3A_195, %swap3A_196] {strides = array<i32>} : memref<128x128xf32, #tpu.memory_space<vmem>>, vector<16xf32>,
        tpu.vector_store %arg10[%swap3A_195, %swap3A_196], %mul3A_194 {strides = array<i32>} : memref<128x128xf32, #tpu.memory_space<vmem>>, vector<16xf32>,
        %get3A_198 = arith.index_cast %add3A_185 : i32 to index
        %get3A_199 = arith.constant 16 : index
        %get3A_200 = tpu.vector_load %arg10[%get3A_198, %get3A_199] {strides = array<i32>} : memref<128x128xf32, #tpu.memory_space<vmem>>, vector<16xf32>,
        %mul3A_201 = arith.mulf %get3A_200, %gather3A_190 : vector<16xf32>
        %swap3A_202 = arith.index_cast %add3A_185 : i32 to index
        %swap3A_203 = arith.constant 16 : index
        %swap3A_204 = tpu.vector_load %arg10[%swap3A_202, %swap3A_203] {strides = array<i32>} : memref<128x128xf32, #tpu.memory_space<vmem>>, vector<16xf32>,
        tpu.vector_store %arg10[%swap3A_202, %swap3A_203], %mul3A_201 {strides = array<i32>} : memref<128x128xf32, #tpu.memory_space<vmem>>, vector<16xf32>,
        %get3A_205 = arith.index_cast %add3A_185 : i32 to index
        %get3A_206 = arith.constant 32 : index
        %get3A_207 = tpu.vector_load %arg10[%get3A_205, %get3A_206] {strides = array<i32>} : memref<128x128xf32, #tpu.memory_space<vmem>>, vector<16xf32>,
        %mul3A_208 = arith.mulf %get3A_207, %gather3A_190 : vector<16xf32>
        %swap3A_209 = arith.index_cast %add3A_185 : i32 to index
        %swap3A_210 = arith.constant 32 : index
        %swap3A_211 = tpu.vector_load %arg10[%swap3A_209, %swap3A_210] {strides = array<i32>} : memref<128x128xf32, #tpu.memory_space<vmem>>, vector<16xf32>,
        tpu.vector_store %arg10[%swap3A_209, %swap3A_210], %mul3A_208 {strides = array<i32>} : memref<128x128xf32, #tpu.memory_space<vmem>>, vector<16xf32>,
        %get3A_212 = arith.index_cast %add3A_185 : i32 to index
        %get3A_213 = arith.constant 48 : index
        %get3A_214 = tpu.vector_load %arg10[%get3A_212, %get3A_213] {strides = array<i32>} : memref<128x128xf32, #tpu.memory_space<vmem>>, vector<16xf32>,
        %mul3A_215 = arith.mulf %get3A_214, %gather3A_190 : vector<16xf32>
        %swap3A_216 = arith.index_cast %add3A_185 : i32 to index
        %swap3A_217 = arith.constant 48 : index
        %swap3A_218 = tpu.vector_load %arg10[%swap3A_216, %swap3A_217] {strides = array<i32>} : memref<128x128xf32, #tpu.memory_space<vmem>>, vector<16xf32>,
        tpu.vector_store %arg10[%swap3A_216, %swap3A_217], %mul3A_215 {strides = array<i32>} : memref<128x128xf32, #tpu.memory_space<vmem>>, vector<16xf32>,
        %get3A_219 = arith.index_cast %add3A_185 : i32 to index
        %get3A_220 = arith.constant 64 : index
        %get3A_221 = tpu.vector_load %arg10[%get3A_219, %get3A_220] {strides = array<i32>} : memref<128x128xf32, #tpu.memory_space<vmem>>, vector<16xf32>,
        %mul3A_222 = arith.mulf %get3A_221, %gather3A_190 : vector<16xf32>
        %swap3A_223 = arith.index_cast %add3A_185 : i32 to index
        %swap3A_224 = arith.constant 64 : index
        %swap3A_225 = tpu.vector_load %arg10[%swap3A_223, %swap3A_224] {strides = array<i32>} : memref<128x128xf32, #tpu.memory_space<vmem>>, vector<16xf32>,
        tpu.vector_store %arg10[%swap3A_223, %swap3A_224], %mul3A_222 {strides = array<i32>} : memref<128x128xf32, #tpu.memory_space<vmem>>, vector<16xf32>,
        %get3A_226 = arith.index_cast %add3A_185 : i32 to index
        %get3A_227 = arith.constant 80 : index
        %get3A_228 = tpu.vector_load %arg10[%get3A_226, %get3A_227] {strides = array<i32>} : memref<128x128xf32, #tpu.memory_space<vmem>>, vector<16xf32>,
        %mul3A_229 = arith.mulf %get3A_228, %gather3A_190 : vector<16xf32>
        %swap3A_230 = arith.index_cast %add3A_185 : i32 to index
        %swap3A_231 = arith.constant 80 : index
        %swap3A_232 = tpu.vector_load %arg10[%swap3A_230, %swap3A_231] {strides = array<i32>} : memref<128x128xf32, #tpu.memory_space<vmem>>, vector<16xf32>,
        tpu.vector_store %arg10[%swap3A_230, %swap3A_231], %mul3A_229 {strides = array<i32>} : memref<128x128xf32, #tpu.memory_space<vmem>>, vector<16xf32>,
        %get3A_233 = arith.index_cast %add3A_185 : i32 to index
        %get3A_234 = arith.constant 96 : index
        %get3A_235 = tpu.vector_load %arg10[%get3A_233, %get3A_234] {strides = array<i32>} : memref<128x128xf32, #tpu.memory_space<vmem>>, vector<16xf32>,
        %mul3A_236 = arith.mulf %get3A_235, %gather3A_190 : vector<16xf32>
        %swap3A_237 = arith.index_cast %add3A_185 : i32 to index
        %swap3A_238 = arith.constant 96 : index
        %swap3A_239 = tpu.vector_load %arg10[%swap3A_237, %swap3A_238] {strides = array<i32>} : memref<128x128xf32, #tpu.memory_space<vmem>>, vector<16xf32>,
        tpu.vector_store %arg10[%swap3A_237, %swap3A_238], %mul3A_236 {strides = array<i32>} : memref<128x128xf32, #tpu.memory_space<vmem>>, vector<16xf32>,
        %get3A_240 = arith.index_cast %add3A_185 : i32 to index
        %get3A_241 = arith.constant 112 : index
        %get3A_242 = tpu.vector_load %arg10[%get3A_240, %get3A_241] {strides = array<i32>} : memref<128x128xf32, #tpu.memory_space<vmem>>, vector<16xf32>,
        %mul3A_243 = arith.mulf %get3A_242, %gather3A_190 : vector<16xf32>
        %swap3A_244 = arith.index_cast %add3A_185 : i32 to index
        %swap3A_245 = arith.constant 112 : index
        %swap3A_246 = tpu.vector_load %arg10[%swap3A_244, %swap3A_245] {strides = array<i32>} : memref<128x128xf32, #tpu.memory_space<vmem>>, vector<16xf32>,
        tpu.vector_store %arg10[%swap3A_244, %swap3A_245], %mul3A_243 {strides = array<i32>} : memref<128x128xf32, #tpu.memory_space<vmem>>, vector<16xf32>,
        %mul3A_247 = arith.constant 4 : i32
        %mul3A_248 = arith.muli %scan3A_54, %mul3A_247 : i32
        %add3A_249 = arith.constant 3 : i32
        %add3A_250 = arith.addi %mul3A_248, %add3A_249 : i32
        %broadcast_in_dim3A_251 = arith.constant 0 : i32
        %broadcast_in_dim3A_252 = vector.broadcast %broadcast_in_dim3A_251 : i32 to vector<16xi32>
        %add3A_253 = vector.broadcast %add3A_250 : i32 to vector<16xi32>
        %add3A_254 = arith.addi %broadcast_in_dim3A_252, %add3A_253 : vector<16xi32>
        %gather3A_255 = tpu.vector_load_idx %arg9[%add3A_254] : memref<128xf32, #tpu.memory_space<vmem>>[vector<16xi32>], vector<16xf32>,
        %get3A_256 = arith.index_cast %add3A_250 : i32 to index
        %get3A_257 = arith.constant 0 : index
        %get3A_258 = tpu.vector_load %arg10[%get3A_256, %get3A_257] {strides = array<i32>} : memref<128x128xf32, #tpu.memory_space<vmem>>, vector<16xf32>,
        %mul3A_259 = arith.mulf %get3A_258, %gather3A_255 : vector<16xf32>
        %swap3A_260 = arith.index_cast %add3A_250 : i32 to index
        %swap3A_261 = arith.constant 0 : index
        %swap3A_262 = tpu.vector_load %arg10[%swap3A_260, %swap3A_261] {strides = array<i32>} : memref<128x128xf32, #tpu.memory_space<vmem>>, vector<16xf32>,
        tpu.vector_store %arg10[%swap3A_260, %swap3A_261], %mul3A_259 {strides = array<i32>} : memref<128x128xf32, #tpu.memory_space<vmem>>, vector<16xf32>,
        %get3A_263 = arith.index_cast %add3A_250 : i32 to index
        %get3A_264 = arith.constant 16 : index
        %get3A_265 = tpu.vector_load %arg10[%get3A_263, %get3A_264] {strides = array<i32>} : memref<128x128xf32, #tpu.memory_space<vmem>>, vector<16xf32>,
        %mul3A_266 = arith.mulf %get3A_265, %gather3A_255 : vector<16xf32>
        %swap3A_267 = arith.index_cast %add3A_250 : i32 to index
        %swap3A_268 = arith.constant 16 : index
        %swap3A_269 = tpu.vector_load %arg10[%swap3A_267, %swap3A_268] {strides = array<i32>} : memref<128x128xf32, #tpu.memory_space<vmem>>, vector<16xf32>,
        tpu.vector_store %arg10[%swap3A_267, %swap3A_268], %mul3A_266 {strides = array<i32>} : memref<128x128xf32, #tpu.memory_space<vmem>>, vector<16xf32>,
        %get3A_270 = arith.index_cast %add3A_250 : i32 to index
        %get3A_271 = arith.constant 32 : index
        %get3A_272 = tpu.vector_load %arg10[%get3A_270, %get3A_271] {strides = array<i32>} : memref<128x128xf32, #tpu.memory_space<vmem>>, vector<16xf32>,
        %mul3A_273 = arith.mulf %get3A_272, %gather3A_255 : vector<16xf32>
        %swap3A_274 = arith.index_cast %add3A_250 : i32 to index
        %swap3A_275 = arith.constant 32 : index
        %swap3A_276 = tpu.vector_load %arg10[%swap3A_274, %swap3A_275] {strides = array<i32>} : memref<128x128xf32, #tpu.memory_space<vmem>>, vector<16xf32>,
        tpu.vector_store %arg10[%swap3A_274, %swap3A_275], %mul3A_273 {strides = array<i32>} : memref<128x128xf32, #tpu.memory_space<vmem>>, vector<16xf32>,
        %get3A_277 = arith.index_cast %add3A_250 : i32 to index
        %get3A_278 = arith.constant 48 : index
        %get3A_279 = tpu.vector_load %arg10[%get3A_277, %get3A_278] {strides = array<i32>} : memref<128x128xf32, #tpu.memory_space<vmem>>, vector<16xf32>,
        %mul3A_280 = arith.mulf %get3A_279, %gather3A_255 : vector<16xf32>
        %swap3A_281 = arith.index_cast %add3A_250 : i32 to index
        %swap3A_282 = arith.constant 48 : index
        %swap3A_283 = tpu.vector_load %arg10[%swap3A_281, %swap3A_282] {strides = array<i32>} : memref<128x128xf32, #tpu.memory_space<vmem>>, vector<16xf32>,
        tpu.vector_store %arg10[%swap3A_281, %swap3A_282], %mul3A_280 {strides = array<i32>} : memref<128x128xf32, #tpu.memory_space<vmem>>, vector<16xf32>,
        %get3A_284 = arith.index_cast %add3A_250 : i32 to index
        %get3A_285 = arith.constant 64 : index
        %get3A_286 = tpu.vector_load %arg10[%get3A_284, %get3A_285] {strides = array<i32>} : memref<128x128xf32, #tpu.memory_space<vmem>>, vector<16xf32>,
        %mul3A_287 = arith.mulf %get3A_286, %gather3A_255 : vector<16xf32>
        %swap3A_288 = arith.index_cast %add3A_250 : i32 to index
        %swap3A_289 = arith.constant 64 : index
        %swap3A_290 = tpu.vector_load %arg10[%swap3A_288, %swap3A_289] {strides = array<i32>} : memref<128x128xf32, #tpu.memory_space<vmem>>, vector<16xf32>,
        tpu.vector_store %arg10[%swap3A_288, %swap3A_289], %mul3A_287 {strides = array<i32>} : memref<128x128xf32, #tpu.memory_space<vmem>>, vector<16xf32>,
        %get3A_291 = arith.index_cast %add3A_250 : i32 to index
        %get3A_292 = arith.constant 80 : index
        %get3A_293 = tpu.vector_load %arg10[%get3A_291, %get3A_292] {strides = array<i32>} : memref<128x128xf32, #tpu.memory_space<vmem>>, vector<16xf32>,
        %mul3A_294 = arith.mulf %get3A_293, %gather3A_255 : vector<16xf32>
        %swap3A_295 = arith.index_cast %add3A_250 : i32 to index
        %swap3A_296 = arith.constant 80 : index
        %swap3A_297 = tpu.vector_load %arg10[%swap3A_295, %swap3A_296] {strides = array<i32>} : memref<128x128xf32, #tpu.memory_space<vmem>>, vector<16xf32>,
        tpu.vector_store %arg10[%swap3A_295, %swap3A_296], %mul3A_294 {strides = array<i32>} : memref<128x128xf32, #tpu.memory_space<vmem>>, vector<16xf32>,
        %get3A_298 = arith.index_cast %add3A_250 : i32 to index
        %get3A_299 = arith.constant 96 : index
        %get3A_300 = tpu.vector_load %arg10[%get3A_298, %get3A_299] {strides = array<i32>} : memref<128x128xf32, #tpu.memory_space<vmem>>, vector<16xf32>,
        %mul3A_301 = arith.mulf %get3A_300, %gather3A_255 : vector<16xf32>
        %swap3A_302 = arith.index_cast %add3A_250 : i32 to index
        %swap3A_303 = arith.constant 96 : index
        %swap3A_304 = tpu.vector_load %arg10[%swap3A_302, %swap3A_303] {strides = array<i32>} : memref<128x128xf32, #tpu.memory_space<vmem>>, vector<16xf32>,
        tpu.vector_store %arg10[%swap3A_302, %swap3A_303], %mul3A_301 {strides = array<i32>} : memref<128x128xf32, #tpu.memory_space<vmem>>, vector<16xf32>,
        %get3A_305 = arith.index_cast %add3A_250 : i32 to index
        %get3A_306 = arith.constant 112 : index
        %get3A_307 = tpu.vector_load %arg10[%get3A_305, %get3A_306] {strides = array<i32>} : memref<128x128xf32, #tpu.memory_space<vmem>>, vector<16xf32>,
        %mul3A_308 = arith.mulf %get3A_307, %gather3A_255 : vector<16xf32>
        %swap3A_309 = arith.index_cast %add3A_250 : i32 to index
        %swap3A_310 = arith.constant 112 : index
        %swap3A_311 = tpu.vector_load %arg10[%swap3A_309, %swap3A_310] {strides = array<i32>} : memref<128x128xf32, #tpu.memory_space<vmem>>, vector<16xf32>,
        tpu.vector_store %arg10[%swap3A_309, %swap3A_310], %mul3A_308 {strides = array<i32>} : memref<128x128xf32, #tpu.memory_space<vmem>>, vector<16xf32>,
      }
      %scan3A_53 = arith.constant 32 : i32
      "tpu.region"() ({
        %run_scoped3A = tpu.sem_alloc : memref<!tpu.dma_semaphore, #tpu.memory_space<semaphore_mem>>
        %dma_start3A_54 = arith.constant 0 : i32
        %dma_start3A_55 = arith.constant 0 : i32
        %dma_start3A_56 = tpu.memref_slice %arg11[%dma_start3A_54, %dma_start3A_55] : memref<10240x128xf32, #tpu.memory_space<vmem_shared>> -> memref<10240x128xf32, #tpu.memory_space<vmem_shared>>
        tpu.enqueue_indirect_dma source(%arg10 : memref<128x128xf32, #tpu.memory_space<vmem>>) target(%dma_start3A_56 : memref<10240x128xf32, #tpu.memory_space<vmem_shared>>) offsets(%arg8 : memref<128xi32, #tpu.memory_space<vmem>>) semaphore(%run_scoped3A : memref<!tpu.dma_semaphore, #tpu.memory_space<semaphore_mem>>) {add = true}
        %dma_wait3A_57 = arith.constant 0 : i32
        %dma_wait3A_58 = arith.constant 0 : i32
        %dma_wait3A_59 = tpu.memref_slice %arg11[%dma_wait3A_57, %dma_wait3A_58] : memref<10240x128xf32, #tpu.memory_space<vmem_shared>> -> memref<10240x128xf32, #tpu.memory_space<vmem_shared>>
        tpu.wait_indirect_dma semaphore(%run_scoped3A : memref<!tpu.dma_semaphore, #tpu.memory_space<semaphore_mem>>) src(%arg10 : memref<128x128xf32, #tpu.memory_space<vmem>>) dst(%dma_wait3A_59 : memref<10240x128xf32, #tpu.memory_space<vmem_shared>>)
        tpu.yield
      }) : () -> ()
    }
    %scan3A_32 = arith.constant 79 : i32
    %barrier3A_33 = arith.constant 0 : index
    tpu.barrier barrier_id(%barrier3A_33)
    %mul3A_34 = arith.constant 640 : i32
    %mul3A_35 = arith.muli %arg1, %mul3A_34 : i32
    %mul3A_36 = arith.constant 640 : i32
    %mul3A_37 = arith.muli %arg1, %mul3A_36 : i32
    "tpu.region"() ({
      %run_scoped3A = tpu.sem_alloc : memref<!tpu.dma_semaphore, #tpu.memory_space<semaphore_mem>>
      %dma_start3A = arith.constant 0 : i32
      %dma_start3A_38 = tpu.memref_slice %arg6[%arg0, %mul3A_37, %dma_start3A] : memref<2x10240x128xf32, #tpu.memory_space<hbm>> -> memref<1x640x128xf32, #tpu.memory_space<hbm>>
      %dma_start3A_39 = tpu.memref_squeeze %dma_start3A_38 : memref<1x640x128xf32, #tpu.memory_space<hbm>> -> memref<640x128xf32, #tpu.memory_space<hbm>>
      %dma_start3A_40 = arith.constant 0 : i32
      %dma_start3A_41 = tpu.memref_slice %arg11[%mul3A_35, %dma_start3A_40] : memref<10240x128xf32, #tpu.memory_space<vmem_shared>> -> memref<640x128xf32, #tpu.memory_space<vmem_shared>>
      tpu.enqueue_dma source(%dma_start3A_41 : memref<640x128xf32, #tpu.memory_space<vmem_shared>>) target(%dma_start3A_39 : memref<640x128xf32, #tpu.memory_space<hbm>>) target_semaphore(%run_scoped3A : memref<!tpu.dma_semaphore, #tpu.memory_space<semaphore_mem>>)
      %dma_wait3A = arith.constant 0 : i32
      %dma_wait3A_42 = tpu.memref_slice %arg6[%arg0, %mul3A_37, %dma_wait3A] : memref<2x10240x128xf32, #tpu.memory_space<hbm>> -> memref<1x640x128xf32, #tpu.memory_space<hbm>>
      %dma_wait3A_43 = tpu.memref_squeeze %dma_wait3A_42 : memref<1x640x128xf32, #tpu.memory_space<hbm>> -> memref<640x128xf32, #tpu.memory_space<hbm>>
      %dma_wait3A_44 = arith.constant 0 : i32
      %dma_wait3A_45 = tpu.memref_slice %arg11[%mul3A_35, %dma_wait3A_44] : memref<10240x128xf32, #tpu.memory_space<vmem_shared>> -> memref<640x128xf32, #tpu.memory_space<vmem_shared>>
      tpu.wait_dma2 semaphore(%run_scoped3A : memref<!tpu.dma_semaphore, #tpu.memory_space<semaphore_mem>>) src(%dma_wait3A_45 : memref<640x128xf32, #tpu.memory_space<vmem_shared>>) dst(%dma_wait3A_43 : memref<640x128xf32, #tpu.memory_space<hbm>>)
      tpu.yield
    }) : () -> ()
    return
  }
}

module attributes {stable_mosaic.version = 14 : i64} {
  func.func @_disc_body(%arg0: i32, %arg1: memref<1000x1xf32, #tpu.memory_space<vmem>>, %arg2: memref<1000x1xf32, #tpu.memory_space<vmem>>, %arg3: memref<1000x128xf32, #tpu.memory_space<vmem>>, %arg4: memref<1000x128xf32, #tpu.memory_space<vmem>>, %arg5: memref<1000x1xf32, #tpu.memory_space<vmem>>) attributes {dimension_semantics = [#tpu.dimension_semantics<arbitrary>], iteration_bounds = array<i64: 10>, scalar_prefetch = 0 : i64, scratch_operands = 0 : i64, tpu.core_type = #tpu.core_type<tc>, window_params = [{transform_indices = @transform_0, window_bounds = array<i64: 1000, 1>}, {transform_indices = @transform_1, window_bounds = array<i64: 1000, 1>}, {transform_indices = @transform_2, window_bounds = array<i64: 1000, 128>}, {transform_indices = @transform_3, window_bounds = array<i64: 1000, 128>}, {transform_indices = @transform_4, window_bounds = array<i64: 1000, 1>}]} {
    %get3A = arith.constant 0 : index
    %get3A_0 = arith.constant 0 : index
    %get3A_1 = vector.load %arg1[%get3A, %get3A_0] : memref<1000x1xf32, #tpu.memory_space<vmem>>, vector<1000x1xf32>
    %get3A_2 = arith.constant 0 : index
    %get3A_3 = arith.constant 0 : index
    %get3A_4 = vector.load %arg2[%get3A_2, %get3A_3] : memref<1000x1xf32, #tpu.memory_space<vmem>>, vector<1000x1xf32>
    %add3A = arith.addf %get3A_1, %get3A_4 : vector<1000x1xf32>
    %gt3A = arith.constant 0.000000e+00 : f32
    %gt3A_5 = vector.broadcast %gt3A : f32 to vector<1000x1xf32>
    %gt3A_6 = arith.cmpf ogt, %add3A, %gt3A_5 : vector<1000x1xf32>
    %jit3A = arith.constant 1.000000e+00 : f32
    %broadcast_in_dim3A = vector.broadcast %jit3A : f32 to vector<1000x1xf32>
    %select_n3A = arith.select %gt3A_6, %add3A, %broadcast_in_dim3A : vector<1000x1xi1>, vector<1000x1xf32>
    %rsqrt3A = math.rsqrt %select_n3A : vector<1000x1xf32>
    %jit3A_7 = arith.constant 0.000000e+00 : f32
    %broadcast_in_dim3A_8 = vector.broadcast %jit3A_7 : f32 to vector<1000x1xf32>
    %select_n3A_9 = arith.select %gt3A_6, %rsqrt3A, %broadcast_in_dim3A_8 : vector<1000x1xi1>, vector<1000x1xf32>
    %swap3A = arith.constant 0 : index
    %swap3A_10 = arith.constant 0 : index
    %swap3A_11 = vector.load %arg5[%swap3A, %swap3A_10] : memref<1000x1xf32, #tpu.memory_space<vmem>>, vector<1000x1xf32>
    tpu.vector_store %arg5[%swap3A, %swap3A_10], %select_n3A_9 {strides = array<i32>} : memref<1000x1xf32, #tpu.memory_space<vmem>>, vector<1000x1xf32>,
    %get3A_12 = arith.constant 0 : index
    %get3A_13 = arith.constant 0 : index
    %get3A_14 = vector.load %arg3[%get3A_12, %get3A_13] : memref<1000x128xf32, #tpu.memory_space<vmem>>, vector<1000x128xf32>
    %mul3A = vector.broadcast %select_n3A_9 : vector<1000x1xf32> to vector<1000x128xf32>
    %mul3A_15 = arith.mulf %mul3A, %get3A_14 : vector<1000x128xf32>
    %swap3A_16 = arith.constant 0 : index
    %swap3A_17 = arith.constant 0 : index
    %swap3A_18 = vector.load %arg4[%swap3A_16, %swap3A_17] : memref<1000x128xf32, #tpu.memory_space<vmem>>, vector<1000x128xf32>
    tpu.vector_store %arg4[%swap3A_16, %swap3A_17], %mul3A_15 {strides = array<i32>} : memref<1000x128xf32, #tpu.memory_space<vmem>>, vector<1000x128xf32>,
    return
  }
  func.func @transform_0(%arg0: i32) -> (i32, i32) {
    %c0_i32 = arith.constant 0 : i32
    %c0_i32_0 = arith.constant 0 : i32
    return %arg0, %c0_i32 : i32, i32
  }
  func.func @transform_1(%arg0: i32) -> (i32, i32) {
    %c0_i32 = arith.constant 0 : i32
    %c0_i32_0 = arith.constant 0 : i32
    return %arg0, %c0_i32 : i32, i32
  }
  func.func @transform_2(%arg0: i32) -> (i32, i32) {
    %c0_i32 = arith.constant 0 : i32
    %c0_i32_0 = arith.constant 0 : i32
    return %arg0, %c0_i32 : i32, i32
  }
  func.func @transform_3(%arg0: i32) -> (i32, i32) {
    %c0_i32 = arith.constant 0 : i32
    %c0_i32_0 = arith.constant 0 : i32
    return %arg0, %c0_i32 : i32, i32
  }
  func.func @transform_4(%arg0: i32) -> (i32, i32) {
    %c0_i32 = arith.constant 0 : i32
    %c0_i32_0 = arith.constant 0 : i32
    return %arg0, %c0_i32 : i32, i32
  }
}

module attributes {stable_mosaic.version = 14 : i64} {
  func.func @_dense_body(%arg0: i32, %arg1: memref<1000x128xf32, #tpu.memory_space<vmem>>, %arg2: memref<1000x128xf32, #tpu.memory_space<vmem>>, %arg3: memref<1000x128xf32, #tpu.memory_space<vmem>>, %arg4: memref<1000x128xf32, #tpu.memory_space<vmem>>, %arg5: memref<1000x128xf32, #tpu.memory_space<vmem>>, %arg6: memref<1000x1xf32, #tpu.memory_space<vmem>>, %arg7: memref<128x512xf32, #tpu.memory_space<vmem>>, %arg8: memref<128x512xf32, #tpu.memory_space<vmem>>, %arg9: memref<128x512xf32, #tpu.memory_space<vmem>>, %arg10: memref<2x512xf32, #tpu.memory_space<vmem>>, %arg11: memref<1x128xf32, #tpu.memory_space<vmem>>, %arg12: memref<1x128xf32, #tpu.memory_space<vmem>>, %arg13: memref<1x128xf32, #tpu.memory_space<vmem>>, %arg14: memref<128x128xf32, #tpu.memory_space<vmem>>, %arg15: memref<1x128xf32, #tpu.memory_space<vmem>>, %arg16: memref<1000x128xf32, #tpu.memory_space<vmem>>, %arg17: memref<1000x128xf32, #tpu.memory_space<vmem>>, %arg18: memref<1000x128xf32, #tpu.memory_space<vmem>>) attributes {dimension_semantics = [#tpu.dimension_semantics<arbitrary>], iteration_bounds = array<i64: 10>, scalar_prefetch = 0 : i64, scratch_operands = 0 : i64, tpu.core_type = #tpu.core_type<tc>, window_params = [{transform_indices = @transform_0, window_bounds = array<i64: 1000, 128>}, {transform_indices = @transform_1, window_bounds = array<i64: 1000, 128>}, {transform_indices = @transform_2, window_bounds = array<i64: 1000, 128>}, {transform_indices = @transform_3, window_bounds = array<i64: 1000, 128>}, {transform_indices = @transform_4, window_bounds = array<i64: 1000, 128>}, {transform_indices = @transform_5, window_bounds = array<i64: 1000, 1>}, {pipeline_mode = #tpu.pipeline_mode<synchronous>, transform_indices = @transform_6, window_bounds = array<i64: 128, 512>}, {pipeline_mode = #tpu.pipeline_mode<synchronous>, transform_indices = @transform_7, window_bounds = array<i64: 128, 512>}, {pipeline_mode = #tpu.pipeline_mode<synchronous>, transform_indices = @transform_8, window_bounds = array<i64: 128, 512>}, {pipeline_mode = #tpu.pipeline_mode<synchronous>, transform_indices = @transform_9, window_bounds = array<i64: 2, 512>}, {pipeline_mode = #tpu.pipeline_mode<synchronous>, transform_indices = @transform_10, window_bounds = array<i64: 1, 128>}, {pipeline_mode = #tpu.pipeline_mode<synchronous>, transform_indices = @transform_11, window_bounds = array<i64: 1, 128>}, {pipeline_mode = #tpu.pipeline_mode<synchronous>, transform_indices = @transform_12, window_bounds = array<i64: 1, 128>}, {pipeline_mode = #tpu.pipeline_mode<synchronous>, transform_indices = @transform_13, window_bounds = array<i64: 128, 128>}, {pipeline_mode = #tpu.pipeline_mode<synchronous>, transform_indices = @transform_14, window_bounds = array<i64: 1, 128>}, {transform_indices = @transform_15, window_bounds = array<i64: 1000, 128>}, {transform_indices = @transform_16, window_bounds = array<i64: 1000, 128>}, {transform_indices = @transform_17, window_bounds = array<i64: 1000, 128>}]} {
    %get3A = arith.constant 0 : index
    %get3A_0 = arith.constant 0 : index
    %get3A_1 = vector.load %arg6[%get3A, %get3A_0] : memref<1000x1xf32, #tpu.memory_space<vmem>>, vector<1000x1xf32>
    %neg3A = arith.constant 0.000000e+00 : f32
    %neg3A_2 = vector.broadcast %neg3A : f32 to vector<1000x1xf32>
    %neg3A_3 = arith.subf %neg3A_2, %get3A_1 : vector<1000x1xf32>
    %get3A_4 = arith.constant 0 : index
    %get3A_5 = arith.constant 0 : index
    %get3A_6 = vector.load %arg3[%get3A_4, %get3A_5] : memref<1000x128xf32, #tpu.memory_space<vmem>>, vector<1000x128xf32>
    %get3A_7 = arith.constant 0 : index
    %get3A_8 = arith.constant 0 : index
    %get3A_9 = vector.load %arg4[%get3A_7, %get3A_8] : memref<1000x128xf32, #tpu.memory_space<vmem>>, vector<1000x128xf32>
    %add3A = arith.addf %get3A_6, %get3A_9 : vector<1000x128xf32>
    %mul3A = vector.broadcast %neg3A_3 : vector<1000x1xf32> to vector<1000x128xf32>
    %mul3A_10 = arith.mulf %mul3A, %add3A : vector<1000x128xf32>
    %get3A_11 = arith.constant 0 : index
    %get3A_12 = arith.constant 0 : index
    %get3A_13 = vector.load %arg1[%get3A_11, %get3A_12] : memref<1000x128xf32, #tpu.memory_space<vmem>>, vector<1000x128xf32>
    %get3A_14 = arith.constant 0 : index
    %get3A_15 = arith.constant 0 : index
    %get3A_16 = vector.load %arg7[%get3A_14, %get3A_15] : memref<128x512xf32, #tpu.memory_space<vmem>>, vector<128x512xf32>
    %dot_general3A = arith.constant dense<0.000000e+00> : vector<1000x512xf32>
    %dot_general3A_17 = tpu.matmul %get3A_13, %get3A_16, %dot_general3A {dimension_numbers = #tpu.dot_dimension_numbers<[1], [0], [0], [1], [0, 0, 1, 1], [], []>, transpose_lhs_hint = false} : vector<1000x128xf32>, vector<128x512xf32>, vector<1000x512xf32> -> vector<1000x512xf32>
    %get3A_18 = arith.constant 0 : index
    %get3A_19 = arith.constant 0 : index
    %get3A_20 = vector.load %arg2[%get3A_18, %get3A_19] : memref<1000x128xf32, #tpu.memory_space<vmem>>, vector<1000x128xf32>
    %get3A_21 = arith.constant 0 : index
    %get3A_22 = arith.constant 0 : index
    %get3A_23 = vector.load %arg8[%get3A_21, %get3A_22] : memref<128x512xf32, #tpu.memory_space<vmem>>, vector<128x512xf32>
    %dot_general3A_24 = arith.constant dense<0.000000e+00> : vector<1000x512xf32>
    %dot_general3A_25 = tpu.matmul %get3A_20, %get3A_23, %dot_general3A_24 {dimension_numbers = #tpu.dot_dimension_numbers<[1], [0], [0], [1], [0, 0, 1, 1], [], []>, transpose_lhs_hint = false} : vector<1000x128xf32>, vector<128x512xf32>, vector<1000x512xf32> -> vector<1000x512xf32>
    %add3A_26 = arith.addf %dot_general3A_17, %dot_general3A_25 : vector<1000x512xf32>
    %get3A_27 = arith.constant 0 : index
    %get3A_28 = arith.constant 0 : index
    %get3A_29 = vector.load %arg9[%get3A_27, %get3A_28] : memref<128x512xf32, #tpu.memory_space<vmem>>, vector<128x512xf32>
    %dot_general3A_30 = arith.constant dense<0.000000e+00> : vector<1000x512xf32>
    %dot_general3A_31 = tpu.matmul %mul3A_10, %get3A_29, %dot_general3A_30 {dimension_numbers = #tpu.dot_dimension_numbers<[1], [0], [0], [1], [0, 0, 1, 1], [], []>, transpose_lhs_hint = false} : vector<1000x128xf32>, vector<128x512xf32>, vector<1000x512xf32> -> vector<1000x512xf32>
    %add3A_32 = arith.addf %add3A_26, %dot_general3A_31 : vector<1000x512xf32>
    %get3A_33 = arith.constant 0 : index
    %get3A_34 = arith.constant 0 : index
    %get3A_35 = vector.load %arg10[%get3A_33, %get3A_34] : memref<2x512xf32, #tpu.memory_space<vmem>>, vector<1x512xf32>
    %add3A_36 = vector.broadcast %get3A_35 : vector<1x512xf32> to vector<1000x512xf32>
    %add3A_37 = arith.addf %add3A_32, %add3A_36 : vector<1000x512xf32>
    %get3A_38 = arith.constant 1 : index
    %get3A_39 = arith.constant 0 : index
    %get3A_40 = vector.load %arg10[%get3A_38, %get3A_39] : memref<2x512xf32, #tpu.memory_space<vmem>>, vector<1x512xf32>
    %add3A_41 = vector.broadcast %get3A_40 : vector<1x512xf32> to vector<1000x512xf32>
    %add3A_42 = arith.addf %add3A_37, %add3A_41 : vector<1000x512xf32>
    %get3A_43 = arith.constant 0 : index
    %get3A_44 = arith.constant 0 : index
    %get3A_45 = vector.load %arg5[%get3A_43, %get3A_44] : memref<1000x128xf32, #tpu.memory_space<vmem>>, vector<1000x128xf32>
    %slice3A = vector.extract_strided_slice %add3A_42 {offsets = [0, 0], sizes = [1000, 128], strides = [1, 1]} : vector<1000x512xf32> to vector<1000x128xf32>
    %get3A_46 = arith.constant 0 : index
    %get3A_47 = arith.constant 0 : index
    %get3A_48 = vector.load %arg11[%get3A_46, %get3A_47] : memref<1x128xf32, #tpu.memory_space<vmem>>, vector<1x128xf32>
    %mul3A_49 = vector.broadcast %get3A_48 : vector<1x128xf32> to vector<1000x128xf32>
    %mul3A_50 = arith.mulf %mul3A_49, %get3A_45 : vector<1000x128xf32>
    %add3A_51 = arith.addf %slice3A, %mul3A_50 : vector<1000x128xf32>
    %logistic3A = arith.negf %add3A_51 : vector<1000x128xf32>
    %logistic3A_52 = math.exp %logistic3A : vector<1000x128xf32>
    %logistic3A_53 = arith.constant 1.000000e+00 : f32
    %logistic3A_54 = vector.broadcast %logistic3A_53 : f32 to vector<1000x128xf32>
    %logistic3A_55 = arith.addf %logistic3A_54, %logistic3A_52 : vector<1000x128xf32>
    %logistic3A_56 = arith.divf %logistic3A_54, %logistic3A_55 : vector<1000x128xf32>
    %slice3A_57 = vector.extract_strided_slice %add3A_42 {offsets = [0, 128], sizes = [1000, 128], strides = [1, 1]} : vector<1000x512xf32> to vector<1000x128xf32>
    %get3A_58 = arith.constant 0 : index
    %get3A_59 = arith.constant 0 : index
    %get3A_60 = vector.load %arg12[%get3A_58, %get3A_59] : memref<1x128xf32, #tpu.memory_space<vmem>>, vector<1x128xf32>
    %mul3A_61 = vector.broadcast %get3A_60 : vector<1x128xf32> to vector<1000x128xf32>
    %mul3A_62 = arith.mulf %mul3A_61, %get3A_45 : vector<1000x128xf32>
    %add3A_63 = arith.addf %slice3A_57, %mul3A_62 : vector<1000x128xf32>
    %logistic3A_64 = arith.negf %add3A_63 : vector<1000x128xf32>
    %logistic3A_65 = math.exp %logistic3A_64 : vector<1000x128xf32>
    %logistic3A_66 = arith.constant 1.000000e+00 : f32
    %logistic3A_67 = vector.broadcast %logistic3A_66 : f32 to vector<1000x128xf32>
    %logistic3A_68 = arith.addf %logistic3A_67, %logistic3A_65 : vector<1000x128xf32>
    %logistic3A_69 = arith.divf %logistic3A_67, %logistic3A_68 : vector<1000x128xf32>
    %slice3A_70 = vector.extract_strided_slice %add3A_42 {offsets = [0, 256], sizes = [1000, 128], strides = [1, 1]} : vector<1000x512xf32> to vector<1000x128xf32>
    %tanh3A = math.tanh %slice3A_70 : vector<1000x128xf32>
    %mul3A_71 = arith.mulf %logistic3A_69, %get3A_45 : vector<1000x128xf32>
    %mul3A_72 = arith.mulf %logistic3A_56, %tanh3A : vector<1000x128xf32>
    %add3A_73 = arith.addf %mul3A_71, %mul3A_72 : vector<1000x128xf32>
    %slice3A_74 = vector.extract_strided_slice %add3A_42 {offsets = [0, 384], sizes = [1000, 128], strides = [1, 1]} : vector<1000x512xf32> to vector<1000x128xf32>
    %get3A_75 = arith.constant 0 : index
    %get3A_76 = arith.constant 0 : index
    %get3A_77 = vector.load %arg13[%get3A_75, %get3A_76] : memref<1x128xf32, #tpu.memory_space<vmem>>, vector<1x128xf32>
    %mul3A_78 = vector.broadcast %get3A_77 : vector<1x128xf32> to vector<1000x128xf32>
    %mul3A_79 = arith.mulf %mul3A_78, %add3A_73 : vector<1000x128xf32>
    %add3A_80 = arith.addf %slice3A_74, %mul3A_79 : vector<1000x128xf32>
    %logistic3A_81 = arith.negf %add3A_80 : vector<1000x128xf32>
    %logistic3A_82 = math.exp %logistic3A_81 : vector<1000x128xf32>
    %logistic3A_83 = arith.constant 1.000000e+00 : f32
    %logistic3A_84 = vector.broadcast %logistic3A_83 : f32 to vector<1000x128xf32>
    %logistic3A_85 = arith.addf %logistic3A_84, %logistic3A_82 : vector<1000x128xf32>
    %logistic3A_86 = arith.divf %logistic3A_84, %logistic3A_85 : vector<1000x128xf32>
    %tanh3A_87 = math.tanh %add3A_73 : vector<1000x128xf32>
    %mul3A_88 = arith.mulf %logistic3A_86, %tanh3A_87 : vector<1000x128xf32>
    %swap3A = arith.constant 0 : index
    %swap3A_89 = arith.constant 0 : index
    %swap3A_90 = vector.load %arg18[%swap3A, %swap3A_89] : memref<1000x128xf32, #tpu.memory_space<vmem>>, vector<1000x128xf32>
    tpu.vector_store %arg18[%swap3A, %swap3A_89], %add3A_73 {strides = array<i32>} : memref<1000x128xf32, #tpu.memory_space<vmem>>, vector<1000x128xf32>,
    %swap3A_91 = arith.constant 0 : index
    %swap3A_92 = arith.constant 0 : index
    %swap3A_93 = vector.load %arg17[%swap3A_91, %swap3A_92] : memref<1000x128xf32, #tpu.memory_space<vmem>>, vector<1000x128xf32>
    tpu.vector_store %arg17[%swap3A_91, %swap3A_92], %mul3A_88 {strides = array<i32>} : memref<1000x128xf32, #tpu.memory_space<vmem>>, vector<1000x128xf32>,
    %max3A = arith.constant 0.000000e+00 : f32
    %max3A_94 = vector.broadcast %max3A : f32 to vector<1000x128xf32>
    %max3A_95 = arith.maximumf %mul3A_88, %max3A_94 : vector<1000x128xf32>
    %get3A_96 = arith.constant 0 : index
    %get3A_97 = arith.constant 0 : index
    %get3A_98 = vector.load %arg14[%get3A_96, %get3A_97] : memref<128x128xf32, #tpu.memory_space<vmem>>, vector<128x128xf32>
    %dot_general3A_99 = arith.constant dense<0.000000e+00> : vector<1000x128xf32>
    %dot_general3A_100 = tpu.matmul %max3A_95, %get3A_98, %dot_general3A_99 {dimension_numbers = #tpu.dot_dimension_numbers<[1], [1], [0], [0], [0, 0, 1, 0], [], []>, transpose_lhs_hint = false} : vector<1000x128xf32>, vector<128x128xf32>, vector<1000x128xf32> -> vector<1000x128xf32>
    %get3A_101 = arith.constant 0 : index
    %get3A_102 = arith.constant 0 : index
    %get3A_103 = vector.load %arg15[%get3A_101, %get3A_102] : memref<1x128xf32, #tpu.memory_space<vmem>>, vector<1x128xf32>
    %add3A_104 = vector.broadcast %get3A_103 : vector<1x128xf32> to vector<1000x128xf32>
    %add3A_105 = arith.addf %dot_general3A_100, %add3A_104 : vector<1000x128xf32>
    %swap3A_106 = arith.constant 0 : index
    %swap3A_107 = arith.constant 0 : index
    %swap3A_108 = vector.load %arg16[%swap3A_106, %swap3A_107] : memref<1000x128xf32, #tpu.memory_space<vmem>>, vector<1000x128xf32>
    tpu.vector_store %arg16[%swap3A_106, %swap3A_107], %add3A_105 {strides = array<i32>} : memref<1000x128xf32, #tpu.memory_space<vmem>>, vector<1000x128xf32>,
    return
  }
  func.func @transform_0(%arg0: i32) -> (i32, i32) {
    %c0_i32 = arith.constant 0 : i32
    %c0_i32_0 = arith.constant 0 : i32
    return %arg0, %c0_i32 : i32, i32
  }
  func.func @transform_1(%arg0: i32) -> (i32, i32) {
    %c0_i32 = arith.constant 0 : i32
    %c0_i32_0 = arith.constant 0 : i32
    return %arg0, %c0_i32 : i32, i32
  }
  func.func @transform_2(%arg0: i32) -> (i32, i32) {
    %c0_i32 = arith.constant 0 : i32
    %c0_i32_0 = arith.constant 0 : i32
    return %arg0, %c0_i32 : i32, i32
  }
  func.func @transform_3(%arg0: i32) -> (i32, i32) {
    %c0_i32 = arith.constant 0 : i32
    %c0_i32_0 = arith.constant 0 : i32
    return %arg0, %c0_i32 : i32, i32
  }
  func.func @transform_4(%arg0: i32) -> (i32, i32) {
    %c0_i32 = arith.constant 0 : i32
    %c0_i32_0 = arith.constant 0 : i32
    return %arg0, %c0_i32 : i32, i32
  }
  func.func @transform_5(%arg0: i32) -> (i32, i32) {
    %c0_i32 = arith.constant 0 : i32
    %c0_i32_0 = arith.constant 0 : i32
    return %arg0, %c0_i32 : i32, i32
  }
  func.func @transform_6(%arg0: i32) -> (i32, i32) {
    %c0_i32 = arith.constant 0 : i32
    %c0_i32_0 = arith.constant 0 : i32
    %c0_i32_1 = arith.constant 0 : i32
    return %c0_i32, %c0_i32_0 : i32, i32
  }
  func.func @transform_7(%arg0: i32) -> (i32, i32) {
    %c0_i32 = arith.constant 0 : i32
    %c0_i32_0 = arith.constant 0 : i32
    %c0_i32_1 = arith.constant 0 : i32
    return %c0_i32, %c0_i32_0 : i32, i32
  }
  func.func @transform_8(%arg0: i32) -> (i32, i32) {
    %c0_i32 = arith.constant 0 : i32
    %c0_i32_0 = arith.constant 0 : i32
    %c0_i32_1 = arith.constant 0 : i32
    return %c0_i32, %c0_i32_0 : i32, i32
  }
  func.func @transform_9(%arg0: i32) -> (i32, i32) {
    %c0_i32 = arith.constant 0 : i32
    %c0_i32_0 = arith.constant 0 : i32
    %c0_i32_1 = arith.constant 0 : i32
    return %c0_i32, %c0_i32_0 : i32, i32
  }
  func.func @transform_10(%arg0: i32) -> (i32, i32) {
    %c0_i32 = arith.constant 0 : i32
    %c0_i32_0 = arith.constant 0 : i32
    %c0_i32_1 = arith.constant 0 : i32
    return %c0_i32, %c0_i32_0 : i32, i32
  }
  func.func @transform_11(%arg0: i32) -> (i32, i32) {
    %c0_i32 = arith.constant 0 : i32
    %c0_i32_0 = arith.constant 0 : i32
    %c0_i32_1 = arith.constant 0 : i32
    return %c0_i32, %c0_i32_0 : i32, i32
  }
  func.func @transform_12(%arg0: i32) -> (i32, i32) {
    %c0_i32 = arith.constant 0 : i32
    %c0_i32_0 = arith.constant 0 : i32
    %c0_i32_1 = arith.constant 0 : i32
    return %c0_i32, %c0_i32_0 : i32, i32
  }
  func.func @transform_13(%arg0: i32) -> (i32, i32) {
    %c0_i32 = arith.constant 0 : i32
    %c0_i32_0 = arith.constant 0 : i32
    %c0_i32_1 = arith.constant 0 : i32
    return %c0_i32, %c0_i32_0 : i32, i32
  }
  func.func @transform_14(%arg0: i32) -> (i32, i32) {
    %c0_i32 = arith.constant 0 : i32
    %c0_i32_0 = arith.constant 0 : i32
    %c0_i32_1 = arith.constant 0 : i32
    return %c0_i32, %c0_i32_0 : i32, i32
  }
  func.func @transform_15(%arg0: i32) -> (i32, i32) {
    %c0_i32 = arith.constant 0 : i32
    %c0_i32_0 = arith.constant 0 : i32
    return %arg0, %c0_i32 : i32, i32
  }
  func.func @transform_16(%arg0: i32) -> (i32, i32) {
    %c0_i32 = arith.constant 0 : i32
    %c0_i32_0 = arith.constant 0 : i32
    return %arg0, %c0_i32 : i32, i32
  }
  func.func @transform_17(%arg0: i32) -> (i32, i32) {
    %c0_i32 = arith.constant 0 : i32
    %c0_i32_0 = arith.constant 0 : i32
    return %arg0, %c0_i32 : i32, i32
  }
}

</mosaic_0001>

<sc_bundles>
// kernel: kernel.6.cloned.1.call-start
scs
__scs_entry_jumppad:
0x0: {  	(pc) =	sbr.rel $0x88, $3  }
0x1: {  	(tag) =	ssettag $0x0;
	lr =	simm.s32 $0x1  }
0x2: {  	[smem:$0x3F83] =	sst lr;
	_ =	strace $0xD0000000  }
0x3: {  	_ = 	snop  }
0x4: {  	_ = 	snop  }
0x5: {  	_ = 	snop  }
0x6: {  	_ = 	snop  }
0x7: {  	_ = 	snop  }
__scs_overlays_trampoline_lowered:
0x8: {  	[smem:$0x3F92] =	sst s0  }
0x9: {  	[smem:$0x3F93] =	sst s1  }
0xa: {  	[smem:$0x3F94] =	sst s2  }
0xb: {  	[smem:$0x3F95] =	sst s3  }
0xc: {  	[smem:$0x3F96] =	sst s4  }
0xd: {  	[smem:$0x3F97] =	sst s5  }
0xe: {  	[smem:$0x3F98] =	sst s6  }
0xf: {  	[smem:$0x3F99] =	sst s7  }
0x10: {  	[smem:$0x3F9A] =	sst s8  }
0x11: {  	[smem:$0x3F9B] =	sst s9;
	s0 =	simm.s32 @!p0 $0x0  }
0x12: {  	s1 =	sld [smem:$0x3F81];
	s0 =	simm.s32 @p0 $0x1  }
0x13: {  	[smem:$0x3F9C] =	sst s0;
	s0 =	simm.s32 @!p1 $0x0  }
0x14: {  	s2 =	sld [smem:$0x3F80];
	s0 =	simm.s32 @p1 $0x1  }
0x15: {  	[smem:$0x3F9D] =	sst s0;
	s0 =	simm.s32 @!p2 $0x0  }
0x16: {  	s3 =	sld [smem:$0x3FDB];
	s0 =	simm.s32 @p2 $0x1  }
0x17: {  	s4 =	simm.s32 $0x1BF5;
	[smem:$0x3F9F] =	sst s0  }
0x18: {  	s0 =	sld [smem:$0x3F82];
	_ =	swait.ge [sflag:s4], $0x0  }
0x19: {  	s7 =	sld [smem:$0x3F83]  }
0x1a: {  	s8 =	sadd.s32 $0xFFFFE003, lr  }
0x1b: {  	s9 =	sadd.s32 $0xFFFFFEF7, lr;
	s5 =	simm.s32 $0xFFFFFFFF;
	p2 =	slt.u32 s8, $0xFFFFF086  }
0x1c: {  	p1 =	slt.u32 s9, $0xF7A;
	s5 =	simm.s32 @!p2 $0x0  }
0x1d: {  	s5 =	simm.s32 @p1 $0x1;
	p0 =	seq.s32 s7, s2  }
0x1e: {  	s7 =	smul.u32 @!p0 $0xF7A, s2;
	p2 =	seq.s32 @!p0 s5, $0x0  }
0x1f: {  	s9 =	smul.u32 $0xF7A, s1;
	s8 =	simm.s32 @!p0 $0x1BF5;
	p2 =	por !p2, p0  }
0x20: {  	[sflag:s8] =	ssyncset.s32 @!p0 $0xFFFFF086;
	s6 =	sadd.s32 @!p0 s3, s7;
	s7 =	simm.s32 @!p0 $0x108  }
0x21: {  	s3 =	sadd.s32 s3, s9;
	s6 =	sadd.s32 @!p0 $0x88, s6;
	s7 =	simm.s32 @p2 $0x1082  }
0x22: {  	[simem:s7], [sflag:s8] =	dma.local @!p0 [hbm:s6], $0xF7A  }
0x23: {  	s9 =	sor.u32 $0xD0000000, s2;
	s6 =	simm.s32 $0x108;
	_ =	swait.ge @!p0 [sflag:s8], $0x0  }
0x24: {  	s3 =	sadd.s32 $0x88, s3;
	s6 =	simm.s32 @!p1 $0x1082;
	[sflag:s4] =	ssyncset.s32 $0xFFFFF086  }
0x25: {  	[simem:s6], [sflag:s4] =	dma.local [hbm:s3], $0xF7A  }
0x26: {  	[smem:$0x3F83] =	sst s1;
	(tag) =	ssettag s2;
	_ =	strace s9  }
0x27: {  	s1 =	sld [smem:$0x3F93]  }
0x28: {  	s2 =	sld [smem:$0x3F94]  }
0x29: {  	s4 =	sld [smem:$0x3F96]  }
0x2a: {  	p0 =	seq.s32 s5, $0x0;
	s5 =	sld [smem:$0x3F97]  }
0x2b: {  	s6 =	sld [smem:$0x3F98]  }
0x2c: {  	s7 =	sld [smem:$0x3F99]  }
0x2d: {  	s3 =	simm.s32 $0x108;
	s8 =	sld [smem:$0x3F9A]  }
0x2e: {  	s3 =	simm.s32 @!p0 $0x1082;
	s9 =	sld [smem:$0x3F9B]  }
0x2f: {  	lr =	sadd.s32 s0, s3;
	s0 =	sld [smem:$0x3F92]  }
0x30: {  	s3 =	sld [smem:$0x3F95]  }
0x31: {  	[smem:$0x3F9E] =	sst s10  }
0x32: {  	s10 =	sld [smem:$0x3F9C];
	_ =	sdelay $0x3  }
0x33: {  	p0 =	seq.s32 s10, $0x1;
	s10 =	sld [smem:$0x3F9E];
	_ =	sdelay $0x3  }
0x34: {  	[smem:$0x3F9E] =	sst s10  }
0x35: {  	s10 =	sld [smem:$0x3F9D];
	_ =	sdelay $0x3  }
0x36: {  	p1 =	seq.s32 s10, $0x1;
	s10 =	sld [smem:$0x3F9E];
	_ =	sdelay $0x3  }
0x37: {  	[smem:$0x3F9E] =	sst s10  }
0x38: {  	s10 =	sld [smem:$0x3F9F]  }
0x39: {  	_ = 	snop;
	(pc) =	sbr.ind lr, $3  }
0x3a: {  	_ = 	snop  }
0x3b: {  	_ = 	snop  }
0x3c: {  	p2 =	seq.s32 s10, $0x1;
	s10 =	sld [smem:$0x3F9E]  }
0x3d: {  	_ =	shalt  }
0x3e: {  	_ =	shalt  }
0x3f: {  	_ =	shalt  }
0x40: {  	_ =	shalt  }
0x41: {  	_ =	shalt  }
0x42: {  	_ =	shalt  }
0x43: {  	_ =	shalt  }
0x44: {  	_ =	shalt  }
0x45: {  	_ =	shalt  }
0x46: {  	_ =	shalt  }
0x47: {  	_ =	shalt  }
0x48: {  	_ =	shalt  }
0x49: {  	_ =	shalt  }
0x4a: {  	_ =	shalt  }
0x4b: {  	_ =	shalt  }
0x4c: {  	_ =	shalt  }
0x4d: {  	_ =	shalt  }
0x4e: {  	_ =	shalt  }
0x4f: {  	_ =	shalt  }
0x50: {  	_ =	shalt  }
0x51: {  	_ =	shalt  }
0x52: {  	_ =	shalt  }
0x53: {  	_ =	shalt  }
0x54: {  	_ =	shalt  }
0x55: {  	_ =	shalt  }
0x56: {  	_ =	shalt  }
0x57: {  	_ =	shalt  }
0x58: {  	_ =	shalt  }
0x59: {  	_ =	shalt  }
0x5a: {  	_ =	shalt  }
0x5b: {  	_ =	shalt  }
0x5c: {  	_ =	shalt  }
0x5d: {  	_ =	shalt  }
0x5e: {  	_ =	shalt  }
0x5f: {  	_ =	shalt  }
0x60: {  	_ =	shalt  }
0x61: {  	_ =	shalt  }
0x62: {  	_ =	shalt  }
0x63: {  	_ =	shalt  }
0x64: {  	_ =	shalt  }
0x65: {  	_ =	shalt  }
0x66: {  	_ =	shalt  }
0x67: {  	_ =	shalt  }
0x68: {  	_ =	shalt  }
0x69: {  	_ =	shalt  }
0x6a: {  	_ =	shalt  }
0x6b: {  	_ =	shalt  }
0x6c: {  	_ =	shalt  }
0x6d: {  	_ =	shalt  }
0x6e: {  	_ =	shalt  }
0x6f: {  	_ =	shalt  }
0x70: {  	_ =	shalt  }
0x71: {  	_ =	shalt  }
0x72: {  	_ =	shalt  }
0x73: {  	_ =	shalt  }
0x74: {  	_ =	shalt  }
0x75: {  	_ =	shalt  }
0x76: {  	_ =	shalt  }
0x77: {  	_ =	shalt  }
0x78: {  	_ =	shalt  }
0x79: {  	_ =	shalt  }
0x7a: {  	_ =	shalt  }
0x7b: {  	_ =	shalt  }
0x7c: {  	_ =	shalt  }
0x7d: {  	_ =	shalt  }
0x7e: {  	_ =	shalt  }
0x7f: {  	_ =	shalt  }
0x80: {  	_ =	shalt  }
0x81: {  	_ =	shalt  }
0x82: {  	_ =	shalt  }
0x83: {  	_ =	shalt  }
0x84: {  	_ =	shalt  }
0x85: {  	_ =	shalt  }
0x86: {  	_ =	shalt  }
0x87: {  	_ =	shalt  }
.Lfunc_end0:
.L_simem_size_0:
called_computation_lowered:
.L_overlay_start_0:
0x88: {  	s2 =	sld [smem:$0x3FD9]  }
0x89: {  	s3 =	sld [smem:$0x3FFE];
	_ =	sdelay $0x1  }
0x8a: {  	s1 =	srdreg.scid  }
0x8b: {  	s0 =	sand.u32 $0x1, s1  }
0x8c: {  	s14 =	sshll.u32 s0, $0xA;
	s2 =	sadd.s32 s3, s2  }
0x8d: {  	s2 =	sadd.s32 s2, s14  }
0x8e: {  	[smem:$0x3FAA] =	sst s2  }
0x8f: {  	_ = 	snop  }
0x90: {  	s2 =	sld [smem:$0x3FD0];
	_ =	sdelay $0x2  }
0x91: {  	s15 =	simm.s32 $0xA;
	s4 =	simm.s32 $0x10  }
0x92: {  	[smem:s4], [sflag:s15] =	dma.local [hbm:s2], $0x1  }
0x93: {  	_ =	swait.eq [sflag:s15], $0x1  }
0x94: {  	[sflag:s15] =	ssyncset.done $0x0  }
0x95: {  	s16 =	sld [smem:$0x11];
	[sflag:s15] =	ssyncadd.s32 $0xFFFFFFFF  }
0x96: {  	s17 =	sld [smem:$0x12];
	(tm) =	ssettm $0x1  }
0x97: {  	s18 =	sld [smem:$0x3FFB];
	_ =	sdelay $0x3  }
0x98: {  	_ =	strace s18  }
0x99: {  	s4 =	sld [smem:$0x3FFC];
	_ =	sdelay $0x3  }
0x9a: {  	_ =	strace s4  }
0x9b: {  	s4 =	sld [smem:$0x3FFD];
	_ =	sdelay $0x3  }
0x9c: {  	_ =	strace s4  }
0x9d: {  	_ =	strace $0x8FFFFFFF  }
0x9e: {  	s19 =	sld [smem:$0x3FDB];
	_ =	sdelay $0x1  }
0x9f: {  	s5 =	simm.s32 $_scs_section_size  }
0xa0: {  	s6 =	simm.s32 $_size__tile_overlayer_lowered;
	s7 =	simm.s32 $_tile_overlayer_lowered  }
0xa1: {  	s22 =	simm.s32 $0x1BFF;
	s21 =	sshll.u32 s7, $0x1;
	s4 =	sadd.s32 s5, s19  }
0xa2: {  	s8 =	simm.s32 $0x0;
	s20 =	sshll.u32 s6, $0x1;
	s6 =	sadd.s32 s21, s4  }
0xa3: {  	[timem:s8], [sflag:s22] =	dma.local [hbm:s6], s20  }
0xa4: {  	_ =	swait.ge [sflag:s22], s20  }
0xa5: {  	s5 =	ssub.s32 $0x0, s20;
	[sflag:s22] =	ssyncset.done $0x0  }
0xa6: {  	[sflag:s22] =	ssyncadd.s32 s5;
	_ =	sdelay $0x1  }
0xa7: {  	s23 =	simm.s32 $0x1B8B  }
0xa8: {  	_ =	swait.ge [sflag:s23], $0x1  }
0xa9: {  	[sflag:s23] =	ssyncset.done $0x0  }
0xaa: {  	s25 =	simm.s32 $0x1B8E;
	s24 =	sld [smem:$0x3FFE];
	[sflag:s23] =	ssyncadd.s32 $0xFFFFFFFF  }
0xab: {  	s26 =	simm.s32 $execute0_lowered;
	[smem:$0x3FD2] =	sst s25  }
0xac: {  	s6 =	sshll.u32 s26, $0x1;
	_ =	strace $0x80000046;
	[dreg:$0x1] =	wrdreg $0xFFFFFFFF  }
0xad: {  	s28 =	simm.s32 $_size_execute0_lowered;
	s4 =	sadd.s32 s4, s6;
	[dreg:$0x0] =	wrdreg $0x0  }
0xae: {  	s6 =	sshll.u32 s28, $0x1;
	[dreg:$0x2] =	wrdreg s4  }
0xaf: {  	[dreg:$0x3] =	wrdreg s6  }
0xb0: {  	[dreg:$0x4] =	wrdreg $0xC0  }
0xb1: {  	_ =	task [dreg:s8], $0x5FFFF  }
0xb2: {  	[dreg:$0x1] =	wrdreg $0xFFFFFFFF  }
0xb3: {  	[dreg:$0x0] =	wrdreg $0x60  }
0xb4: {  	[dreg:$0x2] =	wrdreg s16  }
0xb5: {  	[dreg:$0x3] =	wrdreg s24  }
0xb6: {  	[dreg:$0x4] =	wrdreg s17  }
0xb7: {  	[dreg:$0x5] =	wrdreg $0x3800  }
0xb8: {  	[dreg:$0x6] =	wrdreg $0x9  }
0xb9: {  	_ =	task.clear_ibuf [dreg:s8], $0x7FFFF;
	_ =	strace $0x90000046  }
0xba: {  	s29 =	simm.s32 $0x9;
	_ =	strace $0x80000048  }
0xbb: {  	_ =	swait.ge [sflag:s29], $0x1  }
0xbc: {  	[sflag:s29] =	ssyncadd.s32 $0xFFFFFFFF  }
0xbd: {  	_ =	strace $0x90000048  }
0xbe: {  	_ =	sfence  }
0xbf: {  	s30 =	sld [smem:$0x0];
	_ =	sdelay $0x2  }
0xc0: {  	s31 =	sshll.u32 s1, $0xD;
	s1 =	sshrl.u32 s1, $0x2  }
0xc1: {  	s3 =	sand.u32 $0x4000, s31;
	s1 =	sadd.s32 s1, s30  }
0xc2: {  	s0 =	sor.u32 s3, s0;
	s1 =	sshll.u32 s1, $0x11  }
0xc3: {  	s0 =	sor.u32 s1, s0  }
0xc4: {  	s0 =	sadd.s32 $0x8F2B, s0  }
0xc5: {  	[sflag:s0] =	ssyncadd.remote.s32 $0x1  }
0xc6: {  	_ =	sfence.sel $0xFFFF  }
0xc7: {  	[dreg:$0x0] =	wrdreg $0xFFFFFFFF;
	(pc) =	sbr.abs _section_cstart, $3  }
0xc8: {  	[dreg:$0x1] =	wrdreg $0xFFFFFFFF  }
0xc9: {  	_ =	task.clear_ibuf [dreg:s8], $0x2FFFF;
	_ =	strace $0x9FFFFFFF  }
0xca: {  	(tm) =	ssettm $0x7FFFFFFF  }
0xcb: {  	_ =	shalt  }
tec
execute0_lowered:
.L_overlay_start_1:
0x0: {  	(tag) =	ssettag $0x1  }
0x1: {  	s6 =	rddreg [dreg:$0x0]  }
0x2: {  	s4 =	rddreg [dreg:$0x1]  }
0x3: {  	s5 =	rddreg [dreg:$0x2]  }
0x4: {  	s1 =	rddreg [dreg:$0x3]  }
0x5: {  	s2 =	srdreg.scid;
	s0 =	rddreg [dreg:$0x4]  }
0x6: {  	s3 =	simm.s32 $0x0;
	s14 =	simm.s32 $0x20;
	s7 =	sand.u32 $0x1, s2  }
0x7: {  	s15 =	simm.s32 $0x10;
	s2 =	stileid.u32;
	s8 =	smul.u32 $0x4F00, s7  }
0x8: {  	s16 =	simm.s32 $0x0;
	[smem:$0x7FF] =	sst s3;
	s9 =	smul.u32 $0xA00, s2  }
0x9: {  	_ =	strace $0x80000047;
	s10 =	ssub.s32 $0x2, s7;
	s11 =	smul.u32 $0x500, s2  }
0xa: {  	s7 =	sshll.u32 s7, $0x7;
	s29 =	smul.u32 $0x4F0, s2;
	s31 =	sshll.u32 s2, $0x6  }
0xb: {  	s28 =	sshrl.u32 s10, $0x1;
	s12 =	sadd.s32 s8, s4;
	s9 =	sshrl.u32 s9, $0x2  }
0xc: {  	s7 =	sor.u32 s7, s11;
	s10 =	ssub.s32 s10, s28;
	s8 =	sadd.s32 s8, s6  }
0xd: {  	s11 =	simm.s32 $0x80;
	s4 =	sadd.s32 s9, s1;
	s7 =	sshrl.u32 s7, $0x3  }
0xe: {  	s30 =	sadd.s32 s29, s12;
	s6 =	smax.u32 s10, $0x1;
	s8 =	sadd.s32 s29, s8  }
0xf: {  	s9 =	simm.s32 $0x100;
	s10 =	simm.s32 $0x1;
	s12 =	sor.u32 $0x1C01, s31  }
0x10: {  	v0 =	vimm.f32 $0.0e+00;
	s5 =	sadd.s32 s5, s7;
	s7 =	sadd.s32 $0x5000, s30;
	s13 =	sshrl.u32 s4, $0x3  }
.LBB2_1:
0x11: {  	[tilespmem:$0x100] =	vst v0  }
0x12: {  	[tilespmem:$0x110] =	vst v0  }
0x13: {  	[tilespmem:$0x120] =	vst v0  }
0x14: {  	[tilespmem:$0x130] =	vst v0  }
0x15: {  	[tilespmem:$0x140] =	vst v0  }
0x16: {  	[tilespmem:$0x150] =	vst v0  }
0x17: {  	[tilespmem:$0x160] =	vst v0  }
0x18: {  	[tilespmem:$0x170] =	vst v0  }
0x19: {  	[tilespmem:$0x180] =	vst v0  }
0x1a: {  	[tilespmem:$0x190] =	vst v0  }
0x1b: {  	[tilespmem:$0x1A0] =	vst v0  }
0x1c: {  	[tilespmem:$0x1B0] =	vst v0  }
0x1d: {  	[tilespmem:$0x1C0] =	vst v0  }
0x1e: {  	[tilespmem:$0x1D0] =	vst v0  }
0x1f: {  	[tilespmem:$0x1E0] =	vst v0  }
0x20: {  	[tilespmem:$0x1F0] =	vst v0  }
0x21: {  	[tilespmem:$0x200] =	vst v0  }
0x22: {  	[tilespmem:$0x210] =	vst v0  }
0x23: {  	[tilespmem:$0x220] =	vst v0  }
0x24: {  	[tilespmem:$0x230] =	vst v0  }
0x25: {  	[tilespmem:$0x240] =	vst v0  }
0x26: {  	[tilespmem:$0x250] =	vst v0  }
0x27: {  	[tilespmem:$0x260] =	vst v0  }
0x28: {  	[tilespmem:$0x270] =	vst v0  }
0x29: {  	[tilespmem:$0x280] =	vst v0  }
0x2a: {  	[tilespmem:$0x290] =	vst v0  }
0x2b: {  	[tilespmem:$0x2A0] =	vst v0  }
0x2c: {  	[tilespmem:$0x2B0] =	vst v0  }
0x2d: {  	[tilespmem:$0x2C0] =	vst v0  }
0x2e: {  	[tilespmem:$0x2D0] =	vst v0  }
0x2f: {  	[tilespmem:$0x2E0] =	vst v0  }
0x30: {  	[tilespmem:$0x2F0] =	vst v0  }
0x31: {  	[tilespmem:$0x300] =	vst v0  }
0x32: {  	[tilespmem:$0x310] =	vst v0  }
0x33: {  	[tilespmem:$0x320] =	vst v0  }
0x34: {  	[tilespmem:$0x330] =	vst v0  }
0x35: {  	[tilespmem:$0x340] =	vst v0  }
0x36: {  	[tilespmem:$0x350] =	vst v0  }
0x37: {  	[tilespmem:$0x360] =	vst v0  }
0x38: {  	[tilespmem:$0x370] =	vst v0  }
0x39: {  	[spmem:s4] =	stream.linear.scatter [tilespmem:s9], [sflag:$0x1], $0x280, $0x38;
	[tilespmem:$0x600] =	vst v63  }
0x3a: {  	_ =	swait.ge [sflag:s10], $0x280  }
0x3b: {  	[sflag:s10] =	ssyncset.done $0x0  }
0x3c: {  	[sflag:s10] =	ssyncadd.s32 $0xFFFFFD80  }
0x3d: {  	s17 =	sadd.s32 $0x0, s8;
	[bflag:$0x0] =	sbarrier.arrive $0xFFFF  }
0x3e: {  	[tilespmem:s3], [sflag:$0x1] =	stream.linear.gather [hbm4b:s17+s3], $0x80, $0x38;
	[tilespmem:$0x600] =	vst v63  }
0x3f: {  	_ =	swait.ge [sflag:s10], $0x80  }
0x40: {  	[sflag:s10] =	ssyncset.done $0x0  }
0x41: {  	s31 =	sadd.s32 $0x0, s7;
	[sflag:s10] =	ssyncadd.s32 $0xFFFFFF80  }
0x42: {  	[tilespmem:s11], [sflag:$0x1] =	stream.linear.gather [hbm4b:s31+s3], $0x80, $0x38;
	[tilespmem:$0x600] =	vst v63  }
0x43: {  	_ =	swait.ge [sflag:s10], $0x80  }
0x44: {  	[sflag:s10] =	ssyncset.done $0x0  }
0x45: {  	[sflag:s10] =	ssyncadd.s32 $0xFFFFFF80  }
0x46: {  	[spmem:s1] =	stream.indirect.scatter.add.f32 [tilespmem:s11], [sflag:$0x1], $0x1, s3, s11, $0xb8;
	[tilespmem:$0x600] =	vst v63  }
0x47: {  	_ =	swait.ge [sflag:s10], $0x80  }
0x48: {  	s18 =	simm.s32 $0x20;
	s17 =	simm.s32 $0x10;
	[sflag:s10] =	ssyncset.done $0x0  }
.LBB2_2:
0x49: {  	s19 =	sadd.s32 s17, s8  }
0x4a: {  	[sflag:s10] =	ssyncadd.s32 $0xFFFFFF80;
	s20 =	smov.u32 s18;
	s21 =	sadd.s32 $0x10, s18  }
0x4b: {  	[tilespmem:s3], [sflag:$0x1] =	stream.linear.gather [hbm4b:s19+s3], $0x80, $0x38;
	[tilespmem:$0x600] =	vst v63  }
0x4c: {  	p0 =	sne.s32 s18, $0x4E0;
	_ =	swait.ge [sflag:s10], $0x80  }
0x4d: {  	[sflag:s10] =	ssyncset.done $0x0  }
0x4e: {  	s18 =	sadd.s32 s17, s7;
	s17 =	smov.u32 s20;
	[sflag:s10] =	ssyncadd.s32 $0xFFFFFF80  }
0x4f: {  	[tilespmem:s11], [sflag:$0x1] =	stream.linear.gather [hbm4b:s18+s3], $0x80, $0x38;
	[tilespmem:$0x600] =	vst v63  }
0x50: {  	_ =	swait.ge [sflag:s10], $0x80  }
.Ltmp0:
0x51: {  	[sflag:s10] =	ssyncset.done $0x0;
	(pc) =	sbr.rel @p0 .LBB2_2-.Ltmp0, $4  }
0x52: {  	[sflag:s10] =	ssyncadd.s32 $0xFFFFFF80  }
0x53: {  	[spmem:s1] =	stream.indirect.scatter.add.f32 [tilespmem:s11], [sflag:$0x1], $0x1, s3, s11, $0xb8;
	[tilespmem:$0x600] =	vst v63  }
0x54: {  	_ =	swait.ge [sflag:s10], $0x80  }
0x55: {  	s18 =	smov.u32 s21;
	[sflag:s10] =	ssyncset.done $0x0  }
0x56: {  	s18 =	sadd.s32 s17, s8;
	[sflag:s10] =	ssyncadd.s32 $0xFFFFFF80  }
0x57: {  	[tilespmem:s3], [sflag:$0x1] =	stream.linear.gather [hbm4b:s18+s3], $0x80, $0x38;
	[tilespmem:$0x600] =	vst v63  }
0x58: {  	_ =	swait.ge [sflag:s10], $0x80  }
0x59: {  	[sflag:s10] =	ssyncset.done $0x0  }
0x5a: {  	s31 =	sadd.s32 s17, s7;
	[sflag:s10] =	ssyncadd.s32 $0xFFFFFF80  }
0x5b: {  	[tilespmem:s11], [sflag:$0x1] =	stream.linear.gather [hbm4b:s31+s3], $0x80, $0x38;
	[tilespmem:$0x600] =	vst v63  }
0x5c: {  	_ =	swait.ge [sflag:s10], $0x80  }
0x5d: {  	[sflag:s10] =	ssyncset.done $0x0  }
0x5e: {  	[sflag:s10] =	ssyncadd.s32 $0xFFFFFF80  }
0x5f: {  	[spmem:s1] =	stream.indirect.scatter.add.f32 [tilespmem:s11], [sflag:$0x1], $0x1, s3, s11, $0xb8;
	[tilespmem:$0x600] =	vst v63  }
0x60: {  	_ =	swait.ge [sflag:s10], $0x80  }
0x61: {  	s16 =	sadd.s32 $0x1, s16;
	[sflag:s10] =	ssyncset.done $0x0  }
0x62: {  	p0 =	sne.s32 s16, s6;
	[sflag:s10] =	ssyncadd.s32 $0xFFFFFF80  }
.Ltmp1:
0x63: {  	[bflag:$0x0] =	sbarrier.arrive $0xFFFF;
	(pc) =	sbr.rel @p0 .LBB2_1-.Ltmp1, $4  }
0x64: {  	[hbm:s5@s14], [sflag:s12] =	dma.strided [spmem:s13@s15], $0x50, s10, $0x10   }
0x65: {  	_ =	swait.ge [sflag:s10], $0x50  }
0x66: {  	[sflag:s10] =	ssyncset.done $0x0  }
0x67: {  	[sflag:s10] =	ssyncadd.s32 $0xFFFFFFB0  }
0x68: {  	_ =	sfence.sel $0x180000  }
0x69: {  	[bflag:$0x0] =	sbarrier.arrive $0xFFFF  }
0x6a: {  	p0 =	sne.s32 s2, $0x0;
	_ =	strace $0x90000047  }
0x6b: {  	s0 =	sadd.s32 @!p0 $0x100000, s0;
	[bflag:$0x2] =	sbarrier.arrive $0xFFFF  }
0x6c: {  	[sflag:s0] =	ssyncadd.tile.s32 @!p0 $0x1;
	_ =	shalt  }
.Lfunc_end2:
_tile_overlayer_lowered:
.L_overlay_start_2:
0x6d: {  	(tag) =	ssettag $0x2  }
0x6e: {  	s0 =	rddreg [dreg:$0x0];
	s2 =	stileid.u32  }
0x6f: {  	s1 =	rddreg [dreg:$0x1];
	p0 =	sne.s32 s2, $0x0  }
0x70: {  	s3 =	rddreg [dreg:$0x2];
	[bflag:$0x3] =	sbarrier.arrive $0xFFFF;
	s2 =	simm.s32 @!p0 $0x1C01  }
0x71: {  	[timem:s3], [sflag:s2] =	dma.local @!p0 [hbm:s0], s1  }
0x72: {  	s0 =	simm.s32 @!p0 $0x1  }
0x73: {  	_ =	swait.ge @!p0 [sflag:s0], s1  }
0x74: {  	s1 =	ssub.s32 @!p0 $0x0, s1;
	[sflag:s0] =	ssyncset.done @!p0 $0x0  }
0x75: {  	[sflag:s0] =	ssyncadd.s32 @!p0 s1  }
0x76: {  	[bflag:$0x3] =	sbarrier.arrive $0xFFFF  }
0x77: {  	_ =	shalt  }

// kernel: kernel.9.cloned.1.call-start
scs
__scs_entry_jumppad:
0x0: {  	(pc) =	sbr.rel $0x88, $3  }
0x1: {  	(tag) =	ssettag $0x0;
	lr =	simm.s32 $0x1  }
0x2: {  	[smem:$0x3F83] =	sst lr;
	_ =	strace $0xD0000000  }
0x3: {  	_ = 	snop  }
0x4: {  	_ = 	snop  }
0x5: {  	_ = 	snop  }
0x6: {  	_ = 	snop  }
0x7: {  	_ = 	snop  }
__scs_overlays_trampoline_lowered:
0x8: {  	[smem:$0x3F92] =	sst s0  }
0x9: {  	[smem:$0x3F93] =	sst s1  }
0xa: {  	[smem:$0x3F94] =	sst s2  }
0xb: {  	[smem:$0x3F95] =	sst s3  }
0xc: {  	[smem:$0x3F96] =	sst s4  }
0xd: {  	[smem:$0x3F97] =	sst s5  }
0xe: {  	[smem:$0x3F98] =	sst s6  }
0xf: {  	[smem:$0x3F99] =	sst s7  }
0x10: {  	[smem:$0x3F9A] =	sst s8  }
0x11: {  	[smem:$0x3F9B] =	sst s9;
	s0 =	simm.s32 @!p0 $0x0  }
0x12: {  	s1 =	sld [smem:$0x3F81];
	s0 =	simm.s32 @p0 $0x1  }
0x13: {  	[smem:$0x3F9C] =	sst s0;
	s0 =	simm.s32 @!p1 $0x0  }
0x14: {  	s2 =	sld [smem:$0x3F80];
	s0 =	simm.s32 @p1 $0x1  }
0x15: {  	[smem:$0x3F9D] =	sst s0;
	s0 =	simm.s32 @!p2 $0x0  }
0x16: {  	s3 =	sld [smem:$0x3FDB];
	s0 =	simm.s32 @p2 $0x1  }
0x17: {  	s4 =	simm.s32 $0x1BF5;
	[smem:$0x3F9F] =	sst s0  }
0x18: {  	s0 =	sld [smem:$0x3F82];
	_ =	swait.ge [sflag:s4], $0x0  }
0x19: {  	s7 =	sld [smem:$0x3F83]  }
0x1a: {  	s8 =	sadd.s32 $0xFFFFE003, lr  }
0x1b: {  	s9 =	sadd.s32 $0xFFFFFEF7, lr;
	s5 =	simm.s32 $0xFFFFFFFF;
	p2 =	slt.u32 s8, $0xFFFFF086  }
0x1c: {  	p1 =	slt.u32 s9, $0xF7A;
	s5 =	simm.s32 @!p2 $0x0  }
0x1d: {  	s5 =	simm.s32 @p1 $0x1;
	p0 =	seq.s32 s7, s2  }
0x1e: {  	s7 =	smul.u32 @!p0 $0xF7A, s2;
	p2 =	seq.s32 @!p0 s5, $0x0  }
0x1f: {  	s9 =	smul.u32 $0xF7A, s1;
	s8 =	simm.s32 @!p0 $0x1BF5;
	p2 =	por !p2, p0  }
0x20: {  	[sflag:s8] =	ssyncset.s32 @!p0 $0xFFFFF086;
	s6 =	sadd.s32 @!p0 s3, s7;
	s7 =	simm.s32 @!p0 $0x108  }
0x21: {  	s3 =	sadd.s32 s3, s9;
	s6 =	sadd.s32 @!p0 $0x88, s6;
	s7 =	simm.s32 @p2 $0x1082  }
0x22: {  	[simem:s7], [sflag:s8] =	dma.local @!p0 [hbm:s6], $0xF7A  }
0x23: {  	s9 =	sor.u32 $0xD0000000, s2;
	s6 =	simm.s32 $0x108;
	_ =	swait.ge @!p0 [sflag:s8], $0x0  }
0x24: {  	s3 =	sadd.s32 $0x88, s3;
	s6 =	simm.s32 @!p1 $0x1082;
	[sflag:s4] =	ssyncset.s32 $0xFFFFF086  }
0x25: {  	[simem:s6], [sflag:s4] =	dma.local [hbm:s3], $0xF7A  }
0x26: {  	[smem:$0x3F83] =	sst s1;
	(tag) =	ssettag s2;
	_ =	strace s9  }
0x27: {  	s1 =	sld [smem:$0x3F93]  }
0x28: {  	s2 =	sld [smem:$0x3F94]  }
0x29: {  	s4 =	sld [smem:$0x3F96]  }
0x2a: {  	p0 =	seq.s32 s5, $0x0;
	s5 =	sld [smem:$0x3F97]  }
0x2b: {  	s6 =	sld [smem:$0x3F98]  }
0x2c: {  	s7 =	sld [smem:$0x3F99]  }
0x2d: {  	s3 =	simm.s32 $0x108;
	s8 =	sld [smem:$0x3F9A]  }
0x2e: {  	s3 =	simm.s32 @!p0 $0x1082;
	s9 =	sld [smem:$0x3F9B]  }
0x2f: {  	lr =	sadd.s32 s0, s3;
	s0 =	sld [smem:$0x3F92]  }
0x30: {  	s3 =	sld [smem:$0x3F95]  }
0x31: {  	[smem:$0x3F9E] =	sst s10  }
0x32: {  	s10 =	sld [smem:$0x3F9C];
	_ =	sdelay $0x3  }
0x33: {  	p0 =	seq.s32 s10, $0x1;
	s10 =	sld [smem:$0x3F9E];
	_ =	sdelay $0x3  }
0x34: {  	[smem:$0x3F9E] =	sst s10  }
0x35: {  	s10 =	sld [smem:$0x3F9D];
	_ =	sdelay $0x3  }
0x36: {  	p1 =	seq.s32 s10, $0x1;
	s10 =	sld [smem:$0x3F9E];
	_ =	sdelay $0x3  }
0x37: {  	[smem:$0x3F9E] =	sst s10  }
0x38: {  	s10 =	sld [smem:$0x3F9F]  }
0x39: {  	_ = 	snop;
	(pc) =	sbr.ind lr, $3  }
0x3a: {  	_ = 	snop  }
0x3b: {  	_ = 	snop  }
0x3c: {  	p2 =	seq.s32 s10, $0x1;
	s10 =	sld [smem:$0x3F9E]  }
0x3d: {  	_ =	shalt  }
0x3e: {  	_ =	shalt  }
0x3f: {  	_ =	shalt  }
0x40: {  	_ =	shalt  }
0x41: {  	_ =	shalt  }
0x42: {  	_ =	shalt  }
0x43: {  	_ =	shalt  }
0x44: {  	_ =	shalt  }
0x45: {  	_ =	shalt  }
0x46: {  	_ =	shalt  }
0x47: {  	_ =	shalt  }
0x48: {  	_ =	shalt  }
0x49: {  	_ =	shalt  }
0x4a: {  	_ =	shalt  }
0x4b: {  	_ =	shalt  }
0x4c: {  	_ =	shalt  }
0x4d: {  	_ =	shalt  }
0x4e: {  	_ =	shalt  }
0x4f: {  	_ =	shalt  }
0x50: {  	_ =	shalt  }
0x51: {  	_ =	shalt  }
0x52: {  	_ =	shalt  }
0x53: {  	_ =	shalt  }
0x54: {  	_ =	shalt  }
0x55: {  	_ =	shalt  }
0x56: {  	_ =	shalt  }
0x57: {  	_ =	shalt  }
0x58: {  	_ =	shalt  }
0x59: {  	_ =	shalt  }
0x5a: {  	_ =	shalt  }
0x5b: {  	_ =	shalt  }
0x5c: {  	_ =	shalt  }
0x5d: {  	_ =	shalt  }
0x5e: {  	_ =	shalt  }
0x5f: {  	_ =	shalt  }
0x60: {  	_ =	shalt  }
0x61: {  	_ =	shalt  }
0x62: {  	_ =	shalt  }
0x63: {  	_ =	shalt  }
0x64: {  	_ =	shalt  }
0x65: {  	_ =	shalt  }
0x66: {  	_ =	shalt  }
0x67: {  	_ =	shalt  }
0x68: {  	_ =	shalt  }
0x69: {  	_ =	shalt  }
0x6a: {  	_ =	shalt  }
0x6b: {  	_ =	shalt  }
0x6c: {  	_ =	shalt  }
0x6d: {  	_ =	shalt  }
0x6e: {  	_ =	shalt  }
0x6f: {  	_ =	shalt  }
0x70: {  	_ =	shalt  }
0x71: {  	_ =	shalt  }
0x72: {  	_ =	shalt  }
0x73: {  	_ =	shalt  }
0x74: {  	_ =	shalt  }
0x75: {  	_ =	shalt  }
0x76: {  	_ =	shalt  }
0x77: {  	_ =	shalt  }
0x78: {  	_ =	shalt  }
0x79: {  	_ =	shalt  }
0x7a: {  	_ =	shalt  }
0x7b: {  	_ =	shalt  }
0x7c: {  	_ =	shalt  }
0x7d: {  	_ =	shalt  }
0x7e: {  	_ =	shalt  }
0x7f: {  	_ =	shalt  }
0x80: {  	_ =	shalt  }
0x81: {  	_ =	shalt  }
0x82: {  	_ =	shalt  }
0x83: {  	_ =	shalt  }
0x84: {  	_ =	shalt  }
0x85: {  	_ =	shalt  }
0x86: {  	_ =	shalt  }
0x87: {  	_ =	shalt  }
.Lfunc_end0:
.L_simem_size_0:
called_computation.1_lowered:
.L_overlay_start_0:
0x88: {  	s2 =	sld [smem:$0x3FD9]  }
0x89: {  	s3 =	sld [smem:$0x3FFE];
	_ =	sdelay $0x1  }
0x8a: {  	s1 =	srdreg.scid  }
0x8b: {  	s0 =	sand.u32 $0x1, s1  }
0x8c: {  	s14 =	sshll.u32 s0, $0xA;
	s2 =	sadd.s32 s3, s2  }
0x8d: {  	s2 =	sadd.s32 s2, s14  }
0x8e: {  	[smem:$0x3FAA] =	sst s2  }
0x8f: {  	_ = 	snop  }
0x90: {  	s2 =	sld [smem:$0x3FD0];
	_ =	sdelay $0x2  }
0x91: {  	s15 =	simm.s32 $0xA;
	s4 =	simm.s32 $0x10  }
0x92: {  	[smem:s4], [sflag:s15] =	dma.local [hbm:s2], $0x1  }
0x93: {  	_ =	swait.eq [sflag:s15], $0x1  }
0x94: {  	s16 =	sld [smem:$0x10];
	[sflag:s15] =	ssyncset.done $0x0  }
0x95: {  	s17 =	sld [smem:$0x11];
	[sflag:s15] =	ssyncadd.s32 $0xFFFFFFFF  }
0x96: {  	s18 =	sld [smem:$0x12];
	(tm) =	ssettm $0x1  }
0x97: {  	s5 =	sld [smem:$0x3FFB];
	_ =	sdelay $0x3  }
0x98: {  	_ =	strace s5  }
0x99: {  	s5 =	sld [smem:$0x3FFC];
	_ =	sdelay $0x3  }
0x9a: {  	_ =	strace s5  }
0x9b: {  	s5 =	sld [smem:$0x3FFD];
	_ =	sdelay $0x3  }
0x9c: {  	_ =	strace s5  }
0x9d: {  	_ =	strace $0x8FFFFFFF  }
0x9e: {  	s19 =	sld [smem:$0x3FDB];
	_ =	sdelay $0x1  }
0x9f: {  	s6 =	simm.s32 $_scs_section_size  }
0xa0: {  	s7 =	simm.s32 $_size__tile_overlayer_lowered;
	s8 =	simm.s32 $_tile_overlayer_lowered  }
0xa1: {  	s22 =	simm.s32 $0x1BFF;
	s21 =	sshll.u32 s8, $0x1;
	s5 =	sadd.s32 s6, s19  }
0xa2: {  	s9 =	simm.s32 $0x0;
	s20 =	sshll.u32 s7, $0x1;
	s7 =	sadd.s32 s21, s5  }
0xa3: {  	[timem:s9], [sflag:s22] =	dma.local [hbm:s7], s20  }
0xa4: {  	_ =	swait.ge [sflag:s22], s20  }
0xa5: {  	s6 =	ssub.s32 $0x0, s20;
	[sflag:s22] =	ssyncset.done $0x0  }
0xa6: {  	[sflag:s22] =	ssyncadd.s32 s6;
	_ =	sdelay $0x1  }
0xa7: {  	s23 =	simm.s32 $0x1B8B  }
0xa8: {  	_ =	swait.ge [sflag:s23], $0x1  }
0xa9: {  	[sflag:s23] =	ssyncset.done $0x0  }
0xaa: {  	s25 =	simm.s32 $0x1B8E;
	s24 =	sld [smem:$0x3FFE];
	[sflag:s23] =	ssyncadd.s32 $0xFFFFFFFF  }
0xab: {  	s26 =	simm.s32 $execute0_lowered;
	[smem:$0x3FD2] =	sst s25  }
0xac: {  	s7 =	sshll.u32 s26, $0x1;
	_ =	strace $0x80000049;
	[dreg:$0x1] =	wrdreg $0xFFFFFFFF  }
0xad: {  	s28 =	simm.s32 $_size_execute0_lowered;
	s5 =	sadd.s32 s5, s7;
	[dreg:$0x0] =	wrdreg $0x0  }
0xae: {  	s7 =	sshll.u32 s28, $0x1;
	[dreg:$0x2] =	wrdreg s5  }
0xaf: {  	[dreg:$0x3] =	wrdreg s7  }
0xb0: {  	[dreg:$0x4] =	wrdreg $0xC0  }
0xb1: {  	_ =	task [dreg:s9], $0x5FFFF  }
0xb2: {  	[dreg:$0x1] =	wrdreg $0xFFFFFFFF  }
0xb3: {  	[dreg:$0x0] =	wrdreg $0x60  }
0xb4: {  	[dreg:$0x2] =	wrdreg s17  }
0xb5: {  	[dreg:$0x3] =	wrdreg s16  }
0xb6: {  	[dreg:$0x4] =	wrdreg s24  }
0xb7: {  	[dreg:$0x5] =	wrdreg s18  }
0xb8: {  	[dreg:$0x6] =	wrdreg $0x41800  }
0xb9: {  	[dreg:$0x7] =	wrdreg $0x9  }
0xba: {  	_ =	task.clear_ibuf [dreg:s9], $0x8FFFF;
	_ =	strace $0x90000049  }
0xbb: {  	s29 =	simm.s32 $0x9;
	_ =	strace $0x8000004B  }
0xbc: {  	_ =	swait.ge [sflag:s29], $0x1  }
0xbd: {  	[sflag:s29] =	ssyncadd.s32 $0xFFFFFFFF  }
0xbe: {  	_ =	strace $0x9000004B  }
0xbf: {  	_ =	sfence  }
0xc0: {  	s30 =	sld [smem:$0x0];
	_ =	sdelay $0x2  }
0xc1: {  	s31 =	sshll.u32 s1, $0xD;
	s1 =	sshrl.u32 s1, $0x2  }
0xc2: {  	s3 =	sand.u32 $0x4000, s31;
	s1 =	sadd.s32 s1, s30  }
0xc3: {  	s0 =	sor.u32 s3, s0;
	s1 =	sshll.u32 s1, $0x11  }
0xc4: {  	s0 =	sor.u32 s1, s0  }
0xc5: {  	s0 =	sadd.s32 $0x8F2B, s0  }
0xc6: {  	[sflag:s0] =	ssyncadd.remote.s32 $0x1  }
0xc7: {  	_ =	sfence.sel $0xFFFF  }
0xc8: {  	[dreg:$0x0] =	wrdreg $0xFFFFFFFF;
	(pc) =	sbr.abs _section_cstart, $3  }
0xc9: {  	[dreg:$0x1] =	wrdreg $0xFFFFFFFF  }
0xca: {  	_ =	task.clear_ibuf [dreg:s9], $0x2FFFF;
	_ =	strace $0x9FFFFFFF  }
0xcb: {  	(tm) =	ssettm $0x7FFFFFFF  }
tec
execute0_lowered:
.L_overlay_start_1:
0x0: {  	(tag) =	ssettag $0x1  }
0x1: {  	s0 =	rddreg [dreg:$0x0]  }
0x2: {  	s1 =	rddreg [dreg:$0x1]  }
0x3: {  	s8 =	rddreg [dreg:$0x2]  }
0x4: {  	s4 =	rddreg [dreg:$0x3]  }
0x5: {  	s5 =	rddreg [dreg:$0x4]  }
0x6: {  	s2 =	srdreg.scid;
	s3 =	rddreg [dreg:$0x5];
	s6 =	simm.s32 $0x0  }
0x7: {  	s16 =	simm.s32 $0x180;
	s17 =	simm.s32 $0x2;
	s9 =	sand.u32 $0x1, s2  }
0x8: {  	s18 =	simm.s32 $0x80;
	s2 =	stileid.u32;
	s7 =	smul.u32 $0x140000, s9  }
0x9: {  	s19 =	simm.s32 $0x100;
	[smem:$0x7FF] =	sst s6;
	s10 =	smul.u32 $0x14000, s2  }
0xa: {  	s20 =	simm.s32 $0x1;
	_ =	strace $0x8000004A;
	s11 =	smul.u32 $0x50000, s2  }
0xb: {  	s30 =	ssub.s32 $0x2, s9;
	s9 =	sshll.u32 s9, $0x4;
	s21 =	sshll.u32 s2, $0x6  }
0xc: {  	s31 =	sshrl.u32 s30, $0x1;
	s13 =	sor.u32 s2, s9;
	s21 =	sor.u32 $0x1C02, s21  }
0xd: {  	s7 =	sadd.s32 s10, s7;
	s11 =	sshrl.u32 s11, $0x2;
	s15 =	ssub.s32 s30, s31  }
0xe: {  	s13 =	smul.u32 $0x4F, s13;
	s10 =	sshrl.u32 s7, $0x3;
	s7 =	sadd.s32 $0x5000, s8  }
0xf: {  	s15 =	smax.u32 s15, $0x1;
	s14 =	sadd.s32 s10, s8;
	s8 =	sadd.s32 s11, s5  }
0x10: {  	s9 =	sadd.s32 $0x4000, s8;
	s10 =	sadd.s32 $0x8000, s8;
	s11 =	sadd.s32 $0xC000, s8  }
0x11: {  	v0 =	vimm.f32 $0.0e+00;
	s12 =	sadd.s32 $0x10000, s8;
	s14 =	sadd.s32 $0x36000, s14;
	s22 =	sshrl.u32 s8, $0x3  }
.LBB2_1:
0x12: {  	s23 =	simm.s32 $0x0;
	s24 =	simm.s32 $0x200  }
.LBB2_2:
0x13: {  	p0 =	sne.s32 s24, $0xFE00;
	[tilespmem:s23+$0x1F0] =	vst v0  }
0x14: {  	[tilespmem:s23+$0x180] =	vst v0  }
0x15: {  	[tilespmem:s23+$0x190] =	vst v0  }
.Ltmp0:
0x16: {  	[tilespmem:s23+$0x1A0] =	vst v0;
	(pc) =	sbr.rel @p0 .LBB2_2-.Ltmp0, $4  }
0x17: {  	[tilespmem:s23+$0x1B0] =	vst v0  }
0x18: {  	[tilespmem:s23+$0x1C0] =	vst v0  }
0x19: {  	[tilespmem:s23+$0x1D0] =	vst v0  }
0x1a: {  	[tilespmem:s23+$0x1E0] =	vst v0;
	s23 =	sshra.s32 s24, $0x2;
	s24 =	sadd.s32 $0x200, s24  }
0x1b: {  	[tilespmem:s23+$0x1F0] =	vst v0  }
0x1c: {  	[tilespmem:s23+$0x180] =	vst v0  }
0x1d: {  	[tilespmem:s23+$0x190] =	vst v0  }
0x1e: {  	[tilespmem:s23+$0x1A0] =	vst v0  }
0x1f: {  	[tilespmem:s23+$0x1B0] =	vst v0  }
0x20: {  	[tilespmem:s23+$0x1C0] =	vst v0  }
0x21: {  	[tilespmem:s23+$0x1D0] =	vst v0  }
0x22: {  	[tilespmem:s23+$0x1E0] =	vst v0  }
0x23: {  	[spmem:s8] =	stream.linear.scatter [tilespmem:s16], [sflag:$0x2], $0x4000, $0x38;
	[tilespmem:$0x18180] =	vst v63  }
0x24: {  	_ =	swait.ge [sflag:s17], $0x4000  }
0x25: {  	[sflag:s17] =	ssyncset.done $0x0  }
0x26: {  	[sflag:s17] =	ssyncadd.s32 $0xFFFFC000  }
0x27: {  	[spmem:s9] =	stream.linear.scatter [tilespmem:s16], [sflag:$0x2], $0x4000, $0x38;
	[tilespmem:$0x18180] =	vst v63  }
0x28: {  	_ =	swait.ge [sflag:s17], $0x4000  }
0x29: {  	[sflag:s17] =	ssyncset.done $0x0  }
0x2a: {  	[sflag:s17] =	ssyncadd.s32 $0xFFFFC000  }
0x2b: {  	[spmem:s10] =	stream.linear.scatter [tilespmem:s16], [sflag:$0x2], $0x4000, $0x38;
	[tilespmem:$0x18180] =	vst v63  }
0x2c: {  	_ =	swait.ge [sflag:s17], $0x4000  }
0x2d: {  	[sflag:s17] =	ssyncset.done $0x0  }
0x2e: {  	[sflag:s17] =	ssyncadd.s32 $0xFFFFC000  }
0x2f: {  	[spmem:s11] =	stream.linear.scatter [tilespmem:s16], [sflag:$0x2], $0x4000, $0x38;
	[tilespmem:$0x18180] =	vst v63  }
0x30: {  	_ =	swait.ge [sflag:s17], $0x4000  }
0x31: {  	[sflag:s17] =	ssyncset.done $0x0  }
0x32: {  	[sflag:s17] =	ssyncadd.s32 $0xFFFFC000  }
0x33: {  	[spmem:s12] =	stream.linear.scatter [tilespmem:s16], [sflag:$0x2], $0x4000, $0x38;
	[tilespmem:$0x18180] =	vst v63  }
0x34: {  	_ =	swait.ge [sflag:s17], $0x4000  }
0x35: {  	[sflag:s17] =	ssyncset.done $0x0  }
0x36: {  	[sflag:s17] =	ssyncadd.s32 $0xFFFFC000  }
0x37: {  	s23 =	simm.s32 $0x0;
	s24 =	simm.s32 $0x0;
	[bflag:$0x0] =	sbarrier.arrive $0xFFFF  }
.LBB2_4:
0x38: {  	s25 =	sadd.s32 s13, s24  }
0x39: {  	s25 =	sshll.u32 s25, $0x4  }
0x3a: {  	s26 =	sadd.s32 s0, s25  }
0x3b: {  	[tilespmem:s23], [sflag:$0x2] =	stream.linear.gather [hbm4b:s26+s23], $0x80, $0x38;
	[tilespmem:$0x18180] =	vst v63  }
0x3c: {  	_ =	swait.ge [sflag:s17], $0x80  }
0x3d: {  	[sflag:s17] =	ssyncset.done $0x0  }
0x3e: {  	s31 =	sadd.s32 s1, s25;
	[sflag:s17] =	ssyncadd.s32 $0xFFFFFF80  }
0x3f: {  	[tilespmem:s18], [sflag:$0x2] =	stream.linear.gather [hbm4b:s31+s23], $0x80, $0x38;
	[tilespmem:$0x18180] =	vst v63  }
0x40: {  	_ =	swait.ge [sflag:s17], $0x80  }
0x41: {  	[sflag:s17] =	ssyncset.done $0x0  }
0x42: {  	s25 =	sadd.s32 s7, s25;
	[sflag:s17] =	ssyncadd.s32 $0xFFFFFF80  }
0x43: {  	[tilespmem:s19], [sflag:$0x2] =	stream.linear.gather [hbm4b:s25+s23], $0x80, $0x38;
	[tilespmem:$0x18180] =	vst v63  }
0x44: {  	v1 =	vmov s23;
	_ =	swait.ge [sflag:s17], $0x80  }
0x45: {  	v1 =	vand.u32 $0xFFFFFFFC, v1;
	[sflag:s17] =	ssyncset.done $0x0  }
0x46: {  	v1 =	vbroadcast v1, $0x0;
	[sflag:s17] =	ssyncadd.s32 $0xFFFFFF80  }
0x47: {  	[tilespmem:s16], [sflag:$0x1] =	stream.indirect.gather [hbm4b:s4+s18], $0x80, s23, s18, $0xb8;
	[tilespmem:$0x18180] =	vst v63  }
0x48: {  	_ =	swait.ge [sflag:s20], $0x4000  }
0x49: {  	[sflag:s20] =	ssyncset.done $0x0  }
0x4a: {  	s25 =	simm.s32 $0x280;
	[sflag:s20] =	ssyncadd.s32 $0xFFFFC000  }
0x4b: {  	v2 =	vld [tilespmem:s25+$0xFFFFFF70]  }
0x4c: {  	v1 =	vld.idx.msk [tilespmem:v1+s19+$0x0], $0xffff  }
0x4d: {  	v3 =	vld [tilespmem:s25+$0xFFFFFF00]  }
0x4e: {  	v4 =	vld [tilespmem:s25+$0xFFFFFF20]  }
0x4f: {  	v5 =	vld [tilespmem:s25+$0xFFFFFF50]  }
0x50: {  	v6 =	vld [tilespmem:s25+$0xFFFFFF40]  }
0x51: {  	v7 =	vld [tilespmem:s25+$0xFFFFFF60];
	v2 =	vmul.f32 v2, v1  }
0x52: {  	s30 =	simm.s32 $0x1;
	v8 =	vld [tilespmem:s25+$0xFFFFFF30];
	v3 =	vmul.f32 v3, v1  }
0x53: {  	v9 =	vld [tilespmem:s25+$0xFFFFFF10];
	v4 =	vmul.f32 v4, v1;
	[tilespmem:s25+$0xFFFFFF70] =	vst v2;
	v2 =	vmov s30  }
0x54: {  	v5 =	vmul.f32 v5, v1;
	[tilespmem:s25+$0xFFFFFF00] =	vst v3;
	v2 =	vand.u32 $0xFFFFFFFD, v2  }
0x55: {  	v3 =	vmul.f32 v6, v1;
	[tilespmem:s25+$0xFFFFFF20] =	vst v4;
	v2 =	vbroadcast v2, $0x0  }
0x56: {  	v4 =	vmul.f32 v7, v1;
	[tilespmem:s25+$0xFFFFFF50] =	vst v5  }
0x57: {  	v5 =	vmul.f32 v8, v1;
	[tilespmem:s25+$0xFFFFFF40] =	vst v3  }
0x58: {  	v1 =	vmul.f32 v9, v1;
	[tilespmem:s25+$0xFFFFFF60] =	vst v4  }
0x59: {  	[tilespmem:s25+$0xFFFFFF30] =	vst v5  }
0x5a: {  	[tilespmem:s25+$0xFFFFFF10] =	vst v1;
	v1 =	vld [tilespmem:s25+$0xFFFFFF90]  }
0x5b: {  	v3 =	vld.idx.msk [tilespmem:v2+s19+$0x0], $0xffff  }
0x5c: {  	v2 =	vld [tilespmem:s25+$0xFFFFFFA0]  }
0x5d: {  	v4 =	vld [tilespmem:s25+$0xFFFFFF80]  }
0x5e: {  	v5 =	vld [tilespmem:s25+$0xFFFFFFB0]  }
0x5f: {  	v6 =	vld [tilespmem:s25+$0xFFFFFFC0]  }
0x60: {  	v7 =	vld [tilespmem:s25+$0xFFFFFFD0];
	v1 =	vmul.f32 v1, v3  }
0x61: {  	s31 =	simm.s32 $0x2;
	v8 =	vld [tilespmem:s25+$0xFFFFFFF0];
	v2 =	vmul.f32 v2, v3  }
0x62: {  	v63 =	vld [tilespmem:s25+$0xFFFFFFE0];
	v4 =	vmul.f32 v4, v3;
	[tilespmem:s25+$0xFFFFFF90] =	vst v1;
	v1 =	vmov s31  }
0x63: {  	v5 =	vmul.f32 v5, v3;
	[tilespmem:s25+$0xFFFFFFA0] =	vst v2;
	v1 =	vand.u32 $0xFFFFFFFE, v1  }
0x64: {  	v2 =	vmul.f32 v6, v3;
	[tilespmem:s25+$0xFFFFFF80] =	vst v4;
	v6 =	vld [tilespmem:s25+$0x60];
	v10 =	vbroadcast v1, $0x0  }
0x65: {  	v4 =	vmul.f32 v7, v3;
	[tilespmem:s25+$0xFFFFFFB0] =	vst v5;
	v7 =	vld [tilespmem:s25+$0x0]  }
0x66: {  	v5 =	vmul.f32 v8, v3;
	v1 =	vld [tilespmem:s25+$0x20];
	[tilespmem:s25+$0xFFFFFFC0] =	vst v2  }
0x67: {  	v3 =	vmul.f32 v63, v3;
	v2 =	vld [tilespmem:s25+$0x30];
	[tilespmem:s25+$0xFFFFFFD0] =	vst v4  }
0x68: {  	[tilespmem:s25+$0xFFFFFFF0] =	vst v5;
	v4 =	vld [tilespmem:s25+$0x40]  }
0x69: {  	[tilespmem:s25+$0xFFFFFFE0] =	vst v3;
	v5 =	vld [tilespmem:s25+$0x10]  }
0x6a: {  	s28 =	simm.s32 $0x4;
	s29 =	simm.s32 $0x280;
	s26 =	simm.s32 $0x0;
	v3 =	vld.idx.msk [tilespmem:v10+s19+$0x0], $0xffff  }
.LBB2_5:
0x6b: {  	p0 =	sne.s32 s28, $0x7C  }
0x6c: {  	v8 =	vld [tilespmem:s25+$0x50];
	s29 =	sadd.s32 $0x200, s29;
	s30 =	smov.u32 s28;
	s28 =	sadd.s32 $0x4, s28  }
0x6d: {  	v9 =	vld [tilespmem:s25+$0x70];
	_ =	sdelay $0x1  }
0x6e: {  	v6 =	vmul.f32 v6, v3;
	v7 =	vmul.f32 v7, v3  }
0x6f: {  	v4 =	vmul.f32 v4, v3;
	v5 =	vmul.f32 v5, v3  }
0x70: {  	v1 =	vmul.f32 v1, v3;
	v2 =	vmul.f32 v2, v3;
	[tilespmem:s25+$0x60] =	vst v6  }
0x71: {  	[tilespmem:s25+$0x40] =	vst v4;
	v4 =	vmul.f32 v8, v3;
	v3 =	vmul.f32 v9, v3  }
0x72: {  	s31 =	sadd.s32 $0x3, s26;
	s26 =	smov.u32 s30;
	[tilespmem:s25+$0x20] =	vst v1;
	v6 =	vld [tilespmem:s25+$0x80]  }
0x73: {  	v1 =	vld [tilespmem:s29+$0x20];
	[tilespmem:s25+$0x0] =	vst v7;
	v7 =	vmov s31  }
0x74: {  	[tilespmem:s25+$0x50] =	vst v4;
	v4 =	vld [tilespmem:s25+$0xE0]  }
0x75: {  	[tilespmem:s25+$0x30] =	vst v2;
	v8 =	vld [tilespmem:s25+$0xC0]  }
0x76: {  	v2 =	vld [tilespmem:s29+$0x30];
	[tilespmem:s25+$0x10] =	vst v5  }
0x77: {  	[tilespmem:s25+$0x70] =	vst v3;
	v3 =	vld [tilespmem:s25+$0xA0]  }
0x78: {  	v5 =	vld.idx.msk [tilespmem:v7+s19+$0x0], $0xffff  }
0x79: {  	v7 =	vld [tilespmem:s25+$0x90]  }
0x7a: {  	v9 =	vld [tilespmem:s25+$0xB0]  }
0x7b: {  	v10 =	vld [tilespmem:s25+$0xD0]  }
0x7c: {  	v11 =	vld [tilespmem:s25+$0xF0];
	_ =	sdelay $0x1  }
0x7d: {  	v6 =	vmul.f32 v6, v5;
	v7 =	vmul.f32 v7, v5  }
0x7e: {  	v3 =	vmul.f32 v3, v5;
	v9 =	vmul.f32 v9, v5  }
0x7f: {  	v12 =	vmov s26;
	[tilespmem:s25+$0x80] =	vst v6;
	v6 =	vmul.f32 v8, v5;
	v8 =	vmul.f32 v10, v5  }
0x80: {  	v10 =	vand.u32 $0xFFFFFFFC, v12;
	[tilespmem:s25+$0xA0] =	vst v3;
	v3 =	vmul.f32 v4, v5;
	v4 =	vmul.f32 v11, v5  }
0x81: {  	v5 =	vbroadcast v10, $0x0;
	[tilespmem:s25+$0xC0] =	vst v6  }
0x82: {  	[tilespmem:s25+$0xF0] =	vst v4  }
0x83: {  	v4 =	vld [tilespmem:s29+$0xFFFFFF40];
	[tilespmem:s25+$0xE0] =	vst v3  }
0x84: {  	v3 =	vld [tilespmem:s29+$0xFFFFFF50];
	[tilespmem:s25+$0x90] =	vst v7  }
0x85: {  	v6 =	vld [tilespmem:s29+$0xFFFFFF60];
	[tilespmem:s25+$0xB0] =	vst v9  }
0x86: {  	v7 =	vld [tilespmem:s29+$0xFFFFFF70];
	[tilespmem:s25+$0xD0] =	vst v8;
	s25 =	smov.u32 s29  }
0x87: {  	v5 =	vld.idx.msk [tilespmem:v5+s19+$0x0], $0xffff  }
0x88: {  	v8 =	vld [tilespmem:s29+$0xFFFFFF00]  }
0x89: {  	v9 =	vld [tilespmem:s29+$0xFFFFFF20]  }
0x8a: {  	v10 =	vld [tilespmem:s29+$0xFFFFFF10]  }
0x8b: {  	v11 =	vld [tilespmem:s29+$0xFFFFFF30];
	_ =	sdelay $0x1  }
0x8c: {  	v7 =	vmul.f32 v7, v5;
	v8 =	vmul.f32 v8, v5  }
0x8d: {  	s30 =	sadd.s32 $0x1, s26;
	v6 =	vmul.f32 v6, v5;
	v9 =	vmul.f32 v9, v5  }
0x8e: {  	v3 =	vmul.f32 v3, v5;
	v10 =	vmul.f32 v10, v5;
	[tilespmem:s29+$0xFFFFFF70] =	vst v7;
	v7 =	vmov s30  }
0x8f: {  	v4 =	vmul.f32 v4, v5;
	[tilespmem:s29+$0xFFFFFF00] =	vst v8;
	v8 =	vmul.f32 v11, v5;
	v5 =	vand.u32 $0xFFFFFFFD, v7  }
0x90: {  	[tilespmem:s29+$0xFFFFFF20] =	vst v9;
	v5 =	vbroadcast v5, $0x0  }
0x91: {  	[tilespmem:s29+$0xFFFFFF50] =	vst v3  }
0x92: {  	[tilespmem:s29+$0xFFFFFF40] =	vst v4;
	v3 =	vld [tilespmem:s29+$0xFFFFFFF0]  }
0x93: {  	[tilespmem:s29+$0xFFFFFF60] =	vst v6;
	v4 =	vld [tilespmem:s29+$0xFFFFFFC0]  }
0x94: {  	[tilespmem:s29+$0xFFFFFF30] =	vst v8;
	v6 =	vld [tilespmem:s29+$0xFFFFFFD0]  }
0x95: {  	[tilespmem:s29+$0xFFFFFF10] =	vst v10;
	v7 =	vld [tilespmem:s29+$0xFFFFFF90]  }
0x96: {  	v5 =	vld.idx.msk [tilespmem:v5+s19+$0x0], $0xffff  }
0x97: {  	v8 =	vld [tilespmem:s29+$0xFFFFFF80]  }
0x98: {  	v9 =	vld [tilespmem:s29+$0xFFFFFFA0]  }
0x99: {  	v10 =	vld [tilespmem:s29+$0xFFFFFFB0]  }
0x9a: {  	v11 =	vld [tilespmem:s29+$0xFFFFFFE0];
	_ =	sdelay $0x1  }
0x9b: {  	v7 =	vmul.f32 v7, v5;
	v8 =	vmul.f32 v8, v5  }
0x9c: {  	s30 =	sadd.s32 $0x2, s26;
	v6 =	vmul.f32 v6, v5;
	v9 =	vmul.f32 v9, v5  }
0x9d: {  	v4 =	vmul.f32 v4, v5;
	[tilespmem:s29+$0xFFFFFF90] =	vst v7;
	v7 =	vmul.f32 v10, v5;
	v10 =	vmov s30  }
0x9e: {  	v3 =	vmul.f32 v3, v5;
	[tilespmem:s29+$0xFFFFFFA0] =	vst v9;
	v9 =	vmul.f32 v11, v5;
	v5 =	vand.u32 $0xFFFFFFFE, v10  }
0x9f: {  	[tilespmem:s29+$0xFFFFFF80] =	vst v8;
	v5 =	vbroadcast v5, $0x0  }
0xa0: {  	[tilespmem:s29+$0xFFFFFFB0] =	vst v7  }
0xa1: {  	[tilespmem:s29+$0xFFFFFFC0] =	vst v4  }
0xa2: {  	[tilespmem:s29+$0xFFFFFFD0] =	vst v6  }
.Ltmp1:
0xa3: {  	[tilespmem:s29+$0xFFFFFFF0] =	vst v3;
	v4 =	vld [tilespmem:s29+$0x40];
	(pc) =	sbr.rel @p0 .LBB2_5-.Ltmp1, $4  }
0xa4: {  	[tilespmem:s29+$0xFFFFFFE0] =	vst v9;
	v6 =	vld [tilespmem:s29+$0x60]  }
0xa5: {  	v3 =	vld.idx.msk [tilespmem:v5+s19+$0x0], $0xffff  }
0xa6: {  	v7 =	vld [tilespmem:s29+$0x0]  }
0xa7: {  	v5 =	vld [tilespmem:s29+$0x10]  }
0xa8: {  	_ =	sdelay $0x1  }
0xa9: {  	v6 =	vmul.f32 v6, v3  }
0xaa: {  	v8 =	vld [tilespmem:s25+$0x50];
	v4 =	vmul.f32 v4, v3  }
0xab: {  	v9 =	vld [tilespmem:s25+$0x70];
	v1 =	vmul.f32 v1, v3;
	[tilespmem:s25+$0x60] =	vst v6  }
0xac: {  	v54 =	vmul.f32 v7, v3;
	[tilespmem:s25+$0x40] =	vst v4  }
0xad: {  	s26 =	sadd.s32 $0x3, s26;
	[tilespmem:s25+$0x20] =	vst v1;
	v1 =	vmul.f32 v2, v3  }
0xae: {  	v56 =	vmov s26;
	v5 =	vmul.f32 v5, v3;
	[tilespmem:s25+$0x0] =	vst v54  }
0xaf: {  	v55 =	vmul.f32 v8, v3;
	[tilespmem:s25+$0x30] =	vst v1  }
0xb0: {  	v3 =	vmul.f32 v9, v3;
	[tilespmem:s25+$0x10] =	vst v5  }
0xb1: {  	[tilespmem:s25+$0x50] =	vst v55  }
0xb2: {  	v2 =	vld [tilespmem:s25+$0x80];
	[tilespmem:s25+$0x70] =	vst v3  }
0xb3: {  	v1 =	vld.idx.msk [tilespmem:v56+s19+$0x0], $0xffff  }
0xb4: {  	v3 =	vld [tilespmem:s25+$0xA0]  }
0xb5: {  	v59 =	vld [tilespmem:s25+$0xE0]  }
0xb6: {  	v57 =	vld [tilespmem:s25+$0xC0]  }
0xb7: {  	v58 =	vld [tilespmem:s25+$0xF0]  }
0xb8: {  	v60 =	vld [tilespmem:s25+$0x90];
	v2 =	vmul.f32 v2, v1  }
0xb9: {  	v61 =	vld [tilespmem:s25+$0xB0];
	v3 =	vmul.f32 v3, v1  }
0xba: {  	v62 =	vld [tilespmem:s25+$0xD0];
	v63 =	vmul.f32 v59, v1;
	[tilespmem:s25+$0x80] =	vst v2  }
0xbb: {  	v2 =	vmul.f32 v57, v1;
	[tilespmem:s25+$0xA0] =	vst v3  }
0xbc: {  	v3 =	vmul.f32 v58, v1;
	[tilespmem:s25+$0xE0] =	vst v63  }
0xbd: {  	[tilespmem:s25+$0xC0] =	vst v2;
	v2 =	vmul.f32 v60, v1  }
0xbe: {  	[tilespmem:s25+$0xF0] =	vst v3;
	v3 =	vmul.f32 v61, v1  }
0xbf: {  	s24 =	sadd.s32 $0x1, s24;
	v1 =	vmul.f32 v62, v1;
	[tilespmem:s25+$0x90] =	vst v2  }
0xc0: {  	p0 =	sne.s32 s24, $0x4F;
	[tilespmem:s25+$0xB0] =	vst v3  }
.Ltmp2:
0xc1: {  	[tilespmem:s25+$0xD0] =	vst v1;
	(pc) =	sbr.rel @p0 .LBB2_4-.Ltmp2, $4  }
0xc2: {  	[spmem:s5] =	stream.indirect.scatter.add.f32 [tilespmem:s16], [sflag:$0x2], $0x80, s18, s18, $0xb8;
	[tilespmem:$0x18180] =	vst v63  }
0xc3: {  	_ =	swait.ge [sflag:s17], $0x4000  }
0xc4: {  	[sflag:s17] =	ssyncset.done $0x0  }
0xc5: {  	[sflag:s17] =	ssyncadd.s32 $0xFFFFC000  }
0xc6: {  	s6 =	sadd.s32 $0x1, s6  }
0xc7: {  	p0 =	sne.s32 s6, s15  }
.Ltmp3:
0xc8: {  	[bflag:$0x0] =	sbarrier.arrive $0xFFFF;
	(pc) =	sbr.rel @p0 .LBB2_1-.Ltmp3, $4  }
0xc9: {  	[hbm:s14], [sflag:s21] =	dma.local [spmem:s22], $0x2800  }
0xca: {  	_ =	swait.ge [sflag:s17], $0x2800  }
0xcb: {  	[sflag:s17] =	ssyncset.done $0x0  }
0xcc: {  	[sflag:s17] =	ssyncadd.s32 $0xFFFFD800  }
0xcd: {  	_ =	sfence.sel $0x180000  }
0xce: {  	[bflag:$0x0] =	sbarrier.arrive $0xFFFF  }
0xcf: {  	p0 =	sne.s32 s2, $0x0;
	_ =	strace $0x9000004A  }
0xd0: {  	s0 =	sadd.s32 @!p0 $0x100000, s3;
	[bflag:$0x2] =	sbarrier.arrive $0xFFFF  }
0xd1: {  	[sflag:s0] =	ssyncadd.tile.s32 @!p0 $0x1;
	_ =	shalt  }
.Lfunc_end2:
_tile_overlayer_lowered:
.L_overlay_start_2:
0xd2: {  	(tag) =	ssettag $0x2  }
0xd3: {  	s0 =	rddreg [dreg:$0x0];
	s2 =	stileid.u32  }
0xd4: {  	s1 =	rddreg [dreg:$0x1];
	p0 =	sne.s32 s2, $0x0  }
0xd5: {  	s3 =	rddreg [dreg:$0x2];
	[bflag:$0x3] =	sbarrier.arrive $0xFFFF;
	s2 =	simm.s32 @!p0 $0x1C02  }
0xd6: {  	[timem:s3], [sflag:s2] =	dma.local @!p0 [hbm:s0], s1  }
0xd7: {  	s0 =	simm.s32 @!p0 $0x2  }
0xd8: {  	_ =	swait.ge @!p0 [sflag:s0], s1  }
0xd9: {  	s1 =	ssub.s32 @!p0 $0x0, s1;
	[sflag:s0] =	ssyncset.done @!p0 $0x0  }
0xda: {  	[sflag:s0] =	ssyncadd.s32 @!p0 s1  }
0xdb: {  	[bflag:$0x3] =	sbarrier.arrive $0xFFFF  }
0xdc: {  	_ =	shalt  }

</sc_bundles>
